<compile_context>
chip_gen: v7x
topology: tpu7x:2x2x1
jax: 0.10.2.dev20260603
libtpu: 0.0.44.dev20260713+nightly
codegen_flags: <defaults>
</compile_context>

<pallas_src>
import functools

import jax
import jax.numpy as jnp
from jax import lax
from jax.experimental import pallas as pl
from jax.experimental.pallas import tpu as pltpu
from jax.experimental.pallas import tpu_sc as plsc

NUM_EXPERTS = 16
TOP_K = 2
BLOCK_T = 1024


def _logits_block(x_ref, w_ref, b_ref, o_ref):
    o_ref[...] = (
        jnp.dot(x_ref[...], w_ref[...], preferred_element_type=jnp.float32)
        + b_ref[...]
    )


def _tc_logits(x, W, b2):
    T, D = x.shape
    E = W.shape[1]
    return pl.pallas_call(
        _logits_block,
        grid=(T // BLOCK_T,),
        in_specs=[
            pl.BlockSpec((BLOCK_T, D), lambda i: (i, 0)),
            pl.BlockSpec((D, E), lambda i: (0, 0)),
            pl.BlockSpec((1, E), lambda i: (0, 0)),
        ],
        out_specs=pl.BlockSpec((BLOCK_T, E), lambda i: (i, 0)),
        out_shape=jax.ShapeDtypeStruct((T, E), jnp.float32),
    )(x, W, b2)


def _sc_router(logits):
    T, E = logits.shape
    nw = 32
    tpw = T // nw
    mesh = plsc.VectorSubcoreMesh(core_axis_name="c", subcore_axis_name="s")

    @functools.partial(
        pl.kernel,
        mesh=mesh,
        out_type=jax.ShapeDtypeStruct((T, E), jnp.float32),
        scratch_types=[
            pltpu.VMEM((tpw, E), jnp.float32),
            pltpu.VMEM((tpw, E), jnp.float32),
        ],
        compiler_params=pltpu.CompilerParams(needs_layout_passes=False),
    )
    def k(logits_hbm, out_hbm, buf_in, buf_out):
        wid = lax.axis_index("c") * 16 + lax.axis_index("s")
        base = wid * tpw
        pltpu.sync_copy(logits_hbm.at[pl.ds(base, tpw), :], buf_in)
        iot = lax.iota(jnp.int32, 16)
        neg_inf = jnp.float32(-jnp.inf)

        def group(g, carry):
            tok = g * 16 + iot
            col = [jnp.full((16,), e, jnp.int32) for e in range(E)]
            L = [plsc.load_gather(buf_in, [tok, col[e]]) for e in range(E)]
            m1 = L[0]
            for e in range(1, E):
                m1 = jnp.maximum(m1, L[e])
            i1 = jnp.full((16,), E, jnp.int32)
            for e in range(E - 1, -1, -1):
                i1 = jnp.where(L[e] == m1, e, i1)
            m2 = jnp.where(i1 == 0, neg_inf, L[0])
            for e in range(1, E):
                m2 = jnp.maximum(m2, jnp.where(i1 == e, neg_inf, L[e]))
            i2 = jnp.full((16,), E, jnp.int32)
            for e in range(E - 1, -1, -1):
                le = jnp.where(i1 == e, neg_inf, L[e])
                i2 = jnp.where(le == m2, e, i2)
            Ex = [jnp.exp(L[e] - m1) for e in range(E)]
            s = Ex[0]
            for e in range(1, E):
                s = s + Ex[e]
            r = 1.0 / s
            for e in range(E):
                keep = (i1 == e) | (i2 == e)
                val = jnp.where(keep, Ex[e] * r, jnp.float32(0.0))
                plsc.store_scatter(buf_out, [tok, col[e]], val)
            return carry

        lax.fori_loop(0, tpw // 16, group, 0)
        pltpu.sync_copy(buf_out, out_hbm.at[pl.ds(base, tpw), :])

    return k(logits)


def kernel(token_inputs, W, b, num_experts):
    B, S, D = token_inputs.shape
    E = W.shape[1]
    x = token_inputs.reshape(B * S, D)
    b2 = b.reshape(1, E)
    logits = _tc_logits(x, W, b2)
    probs = _sc_router(logits)
    return probs.reshape(B, S, E)

# --- scband reference (transcript-rebuilt; emitter-appended) ---
"""Pipeline reference for scband-router-19155554140173 (READ-ONLY COPY).

The authoritative reference and input builder live on the scoring server;
editing this copy changes nothing except your own understanding.
"""

import jax, jax.numpy as jnp
import numpy as np

NUM_EXPERTS = 16
TOP_K = 2
JITTER_NOISE = 0.0  # jitter disabled -> deterministic routing


def setup_inputs(seed: int = 0) -> dict:
    key = jax.random.key(seed)
    k1, k2 = jax.random.split(key)
    token_inputs = jax.random.normal(k1, (2, 2048, 2048), dtype=jnp.float32)
    # RouterWeights: DenseGeneral(features=num_experts) kernel + bias
    W = jax.random.normal(k2, (2048, NUM_EXPERTS), dtype=jnp.float32) * 0.02
    b = jnp.zeros((NUM_EXPERTS,), dtype=jnp.float32)
    return {"token_inputs": token_inputs, "W": W, "b": b, "num_experts": NUM_EXPERTS}


def _top_k_mask(array, k):
    top_k_indices = jax.lax.top_k(array, k)[-1]
    mask = jax.nn.one_hot(top_k_indices, array.shape[-1], dtype=jnp.float32)
    mask = jnp.sum(mask, axis=-2)
    return mask, top_k_indices


def reference(token_inputs, W, b, num_experts):
    # _compute_router_probabilities (jitter_noise == 0 so no jitter branch)
    x = jax.lax.convert_element_type(token_inputs, jnp.float32)
    # RouterWeights / DenseGeneral over final axis, dtype float32
    router_logits = jnp.einsum('bsd,de->bse', x, W) + b
    router_probabilities = jax.nn.softmax(router_logits, axis=-1)
    # top_k is set (2): apply top-k mask
    topk_mask, _ = _top_k_mask(router_probabilities, TOP_K)
    router_probs = router_probabilities * topk_mask
    # ignore_padding_tokens=True modifies router_logits only; __call__ returns router_probs
    padding_mask = jnp.array(jnp.sum(jnp.abs(token_inputs), axis=-1) > 0, dtype=token_inputs.dtype)
    router_logits = router_logits * jnp.expand_dims(padding_mask, axis=-1)
    return router_probs

if __name__ == "__main__":
    import jax
    _d = setup_inputs()
    print(jax.jit(kernel)(*tuple(_d.values())))

</pallas_src>

<mosaic_0001>
#map = affine_map<(d0, d1) -> (0, 0)>
module attributes {stable_mosaic.version = 14 : i64} {
  func.func @k(%arg0: i32, %arg1: i32, %arg2: memref<4096x16xf32, #tpu.memory_space<hbm>>, %arg3: memref<4096x16xf32, #tpu.memory_space<hbm>>, %arg4: memref<128x16xf32, #tpu.memory_space<vmem>>, %arg5: memref<128x16xf32, #tpu.memory_space<vmem>>) attributes {dimension_semantics = [#tpu.dimension_semantics<core_parallel>, #tpu.dimension_semantics<subcore_parallel>], iteration_bounds = array<i64: 2, 16>, scalar_prefetch = 0 : i64, scratch_operands = 2 : i64, tpu.core_type = #tpu.core_type<sc_vector_subcore>, window_params = [{transform_indices = #map}, {transform_indices = #map}]} {
    %mul3A = arith.constant 16 : i32
    %mul3A_0 = arith.muli %arg0, %mul3A : i32
    %add3A = arith.addi %mul3A_0, %arg1 : i32
    %mul3A_1 = arith.constant 128 : i32
    %mul3A_2 = arith.muli %add3A, %mul3A_1 : i32
    "tpu.region"() ({
      %run_scoped3A = tpu.sem_alloc : memref<!tpu.dma_semaphore, #tpu.memory_space<semaphore_mem>>
      %dma_start3A = arith.constant 0 : i32
      %dma_start3A_9 = tpu.memref_slice %arg2[%mul3A_2, %dma_start3A] : memref<4096x16xf32, #tpu.memory_space<hbm>> -> memref<128x16xf32, #tpu.memory_space<hbm>>
      %dma_start3A_10 = arith.constant 0 : i32
      %dma_start3A_11 = tpu.memref_slice %arg2[%mul3A_2, %dma_start3A_10] : memref<4096x16xf32, #tpu.memory_space<hbm>> -> memref<128x16xf32, #tpu.memory_space<hbm>>
      tpu.enqueue_dma source(%dma_start3A_11 : memref<128x16xf32, #tpu.memory_space<hbm>>) target(%arg4 : memref<128x16xf32, #tpu.memory_space<vmem>>) target_semaphore(%run_scoped3A : memref<!tpu.dma_semaphore, #tpu.memory_space<semaphore_mem>>)
      %dma_wait3A = arith.constant 0 : i32
      %dma_wait3A_12 = tpu.memref_slice %arg2[%mul3A_2, %dma_wait3A] : memref<4096x16xf32, #tpu.memory_space<hbm>> -> memref<128x16xf32, #tpu.memory_space<hbm>>
      %dma_wait3A_13 = arith.constant 0 : i32
      %dma_wait3A_14 = tpu.memref_slice %arg2[%mul3A_2, %dma_wait3A_13] : memref<4096x16xf32, #tpu.memory_space<hbm>> -> memref<128x16xf32, #tpu.memory_space<hbm>>
      tpu.wait_dma2 semaphore(%run_scoped3A : memref<!tpu.dma_semaphore, #tpu.memory_space<semaphore_mem>>) src(%dma_wait3A_14 : memref<128x16xf32, #tpu.memory_space<hbm>>) dst(%arg4 : memref<128x16xf32, #tpu.memory_space<vmem>>)
      tpu.yield
    }) : () -> ()
    %iota3A = tpu.iota {dimensions = array<i32: 0>} : vector<16xi32>
    %scan3A = arith.constant 0 : i32
    %scan3A_3 = arith.constant 0xFF800000 : f32
    %scan3A_4 = arith.constant 0 : i32
    %scan3A_5 = arith.constant 8 : i32
    %scan3A_6 = arith.addi %scan3A_4, %scan3A_5 : i32
    %scan3A_7 = arith.constant 1 : i32
    scf.for %scan3A_9 = %scan3A_4 to %scan3A_6 step %scan3A_7  : i32 {
      %mul3A_10 = arith.constant 16 : i32
      %mul3A_11 = arith.muli %scan3A_9, %mul3A_10 : i32
      %add3A_12 = vector.broadcast %mul3A_11 : i32 to vector<16xi32>
      %add3A_13 = arith.addi %add3A_12, %iota3A : vector<16xi32>
      %broadcast_in_dim3A = arith.constant 0 : i32
      %broadcast_in_dim3A_14 = vector.broadcast %broadcast_in_dim3A : i32 to vector<16xi32>
      %broadcast_in_dim3A_15 = arith.constant 1 : i32
      %broadcast_in_dim3A_16 = vector.broadcast %broadcast_in_dim3A_15 : i32 to vector<16xi32>
      %broadcast_in_dim3A_17 = arith.constant 2 : i32
      %broadcast_in_dim3A_18 = vector.broadcast %broadcast_in_dim3A_17 : i32 to vector<16xi32>
      %broadcast_in_dim3A_19 = arith.constant 3 : i32
      %broadcast_in_dim3A_20 = vector.broadcast %broadcast_in_dim3A_19 : i32 to vector<16xi32>
      %broadcast_in_dim3A_21 = arith.constant 4 : i32
      %broadcast_in_dim3A_22 = vector.broadcast %broadcast_in_dim3A_21 : i32 to vector<16xi32>
      %broadcast_in_dim3A_23 = arith.constant 5 : i32
      %broadcast_in_dim3A_24 = vector.broadcast %broadcast_in_dim3A_23 : i32 to vector<16xi32>
      %broadcast_in_dim3A_25 = arith.constant 6 : i32
      %broadcast_in_dim3A_26 = vector.broadcast %broadcast_in_dim3A_25 : i32 to vector<16xi32>
      %broadcast_in_dim3A_27 = arith.constant 7 : i32
      %broadcast_in_dim3A_28 = vector.broadcast %broadcast_in_dim3A_27 : i32 to vector<16xi32>
      %broadcast_in_dim3A_29 = arith.constant 8 : i32
      %broadcast_in_dim3A_30 = vector.broadcast %broadcast_in_dim3A_29 : i32 to vector<16xi32>
      %broadcast_in_dim3A_31 = arith.constant 9 : i32
      %broadcast_in_dim3A_32 = vector.broadcast %broadcast_in_dim3A_31 : i32 to vector<16xi32>
      %broadcast_in_dim3A_33 = arith.constant 10 : i32
      %broadcast_in_dim3A_34 = vector.broadcast %broadcast_in_dim3A_33 : i32 to vector<16xi32>
      %broadcast_in_dim3A_35 = arith.constant 11 : i32
      %broadcast_in_dim3A_36 = vector.broadcast %broadcast_in_dim3A_35 : i32 to vector<16xi32>
      %broadcast_in_dim3A_37 = arith.constant 12 : i32
      %broadcast_in_dim3A_38 = vector.broadcast %broadcast_in_dim3A_37 : i32 to vector<16xi32>
      %broadcast_in_dim3A_39 = arith.constant 13 : i32
      %broadcast_in_dim3A_40 = vector.broadcast %broadcast_in_dim3A_39 : i32 to vector<16xi32>
      %broadcast_in_dim3A_41 = arith.constant 14 : i32
      %broadcast_in_dim3A_42 = vector.broadcast %broadcast_in_dim3A_41 : i32 to vector<16xi32>
      %broadcast_in_dim3A_43 = arith.constant 15 : i32
      %broadcast_in_dim3A_44 = vector.broadcast %broadcast_in_dim3A_43 : i32 to vector<16xi32>
      %gather3A = tpu.vector_load_idx %arg4[%add3A_13, %broadcast_in_dim3A_14] : memref<128x16xf32, #tpu.memory_space<vmem>>[vector<16xi32>, vector<16xi32>], vector<16xf32>,
      %gather3A_45 = tpu.vector_load_idx %arg4[%add3A_13, %broadcast_in_dim3A_16] : memref<128x16xf32, #tpu.memory_space<vmem>>[vector<16xi32>, vector<16xi32>], vector<16xf32>,
      %gather3A_46 = tpu.vector_load_idx %arg4[%add3A_13, %broadcast_in_dim3A_18] : memref<128x16xf32, #tpu.memory_space<vmem>>[vector<16xi32>, vector<16xi32>], vector<16xf32>,
      %gather3A_47 = tpu.vector_load_idx %arg4[%add3A_13, %broadcast_in_dim3A_20] : memref<128x16xf32, #tpu.memory_space<vmem>>[vector<16xi32>, vector<16xi32>], vector<16xf32>,
      %gather3A_48 = tpu.vector_load_idx %arg4[%add3A_13, %broadcast_in_dim3A_22] : memref<128x16xf32, #tpu.memory_space<vmem>>[vector<16xi32>, vector<16xi32>], vector<16xf32>,
      %gather3A_49 = tpu.vector_load_idx %arg4[%add3A_13, %broadcast_in_dim3A_24] : memref<128x16xf32, #tpu.memory_space<vmem>>[vector<16xi32>, vector<16xi32>], vector<16xf32>,
      %gather3A_50 = tpu.vector_load_idx %arg4[%add3A_13, %broadcast_in_dim3A_26] : memref<128x16xf32, #tpu.memory_space<vmem>>[vector<16xi32>, vector<16xi32>], vector<16xf32>,
      %gather3A_51 = tpu.vector_load_idx %arg4[%add3A_13, %broadcast_in_dim3A_28] : memref<128x16xf32, #tpu.memory_space<vmem>>[vector<16xi32>, vector<16xi32>], vector<16xf32>,
      %gather3A_52 = tpu.vector_load_idx %arg4[%add3A_13, %broadcast_in_dim3A_30] : memref<128x16xf32, #tpu.memory_space<vmem>>[vector<16xi32>, vector<16xi32>], vector<16xf32>,
      %gather3A_53 = tpu.vector_load_idx %arg4[%add3A_13, %broadcast_in_dim3A_32] : memref<128x16xf32, #tpu.memory_space<vmem>>[vector<16xi32>, vector<16xi32>], vector<16xf32>,
      %gather3A_54 = tpu.vector_load_idx %arg4[%add3A_13, %broadcast_in_dim3A_34] : memref<128x16xf32, #tpu.memory_space<vmem>>[vector<16xi32>, vector<16xi32>], vector<16xf32>,
      %gather3A_55 = tpu.vector_load_idx %arg4[%add3A_13, %broadcast_in_dim3A_36] : memref<128x16xf32, #tpu.memory_space<vmem>>[vector<16xi32>, vector<16xi32>], vector<16xf32>,
      %gather3A_56 = tpu.vector_load_idx %arg4[%add3A_13, %broadcast_in_dim3A_38] : memref<128x16xf32, #tpu.memory_space<vmem>>[vector<16xi32>, vector<16xi32>], vector<16xf32>,
      %gather3A_57 = tpu.vector_load_idx %arg4[%add3A_13, %broadcast_in_dim3A_40] : memref<128x16xf32, #tpu.memory_space<vmem>>[vector<16xi32>, vector<16xi32>], vector<16xf32>,
      %gather3A_58 = tpu.vector_load_idx %arg4[%add3A_13, %broadcast_in_dim3A_42] : memref<128x16xf32, #tpu.memory_space<vmem>>[vector<16xi32>, vector<16xi32>], vector<16xf32>,
      %gather3A_59 = tpu.vector_load_idx %arg4[%add3A_13, %broadcast_in_dim3A_44] : memref<128x16xf32, #tpu.memory_space<vmem>>[vector<16xi32>, vector<16xi32>], vector<16xf32>,
      %max3A = arith.maximumf %gather3A, %gather3A_45 : vector<16xf32>
      %max3A_60 = arith.maximumf %max3A, %gather3A_46 : vector<16xf32>
      %max3A_61 = arith.maximumf %max3A_60, %gather3A_47 : vector<16xf32>
      %max3A_62 = arith.maximumf %max3A_61, %gather3A_48 : vector<16xf32>
      %max3A_63 = arith.maximumf %max3A_62, %gather3A_49 : vector<16xf32>
      %max3A_64 = arith.maximumf %max3A_63, %gather3A_50 : vector<16xf32>
      %max3A_65 = arith.maximumf %max3A_64, %gather3A_51 : vector<16xf32>
      %max3A_66 = arith.maximumf %max3A_65, %gather3A_52 : vector<16xf32>
      %max3A_67 = arith.maximumf %max3A_66, %gather3A_53 : vector<16xf32>
      %max3A_68 = arith.maximumf %max3A_67, %gather3A_54 : vector<16xf32>
      %max3A_69 = arith.maximumf %max3A_68, %gather3A_55 : vector<16xf32>
      %max3A_70 = arith.maximumf %max3A_69, %gather3A_56 : vector<16xf32>
      %max3A_71 = arith.maximumf %max3A_70, %gather3A_57 : vector<16xf32>
      %max3A_72 = arith.maximumf %max3A_71, %gather3A_58 : vector<16xf32>
      %max3A_73 = arith.maximumf %max3A_72, %gather3A_59 : vector<16xf32>
      %broadcast_in_dim3A_74 = arith.constant 16 : i32
      %broadcast_in_dim3A_75 = vector.broadcast %broadcast_in_dim3A_74 : i32 to vector<16xi32>
      %eq3A = arith.cmpf oeq, %gather3A_59, %max3A_73 : vector<16xf32>
      %jit3A = arith.constant 15 : i32
      %broadcast_in_dim3A_76 = vector.broadcast %jit3A : i32 to vector<16xi32>
      %select_n3A = arith.select %eq3A, %broadcast_in_dim3A_76, %broadcast_in_dim3A_75 : vector<16xi1>, vector<16xi32>
      %eq3A_77 = arith.cmpf oeq, %gather3A_58, %max3A_73 : vector<16xf32>
      %jit3A_78 = arith.constant 14 : i32
      %broadcast_in_dim3A_79 = vector.broadcast %jit3A_78 : i32 to vector<16xi32>
      %select_n3A_80 = arith.select %eq3A_77, %broadcast_in_dim3A_79, %select_n3A : vector<16xi1>, vector<16xi32>
      %eq3A_81 = arith.cmpf oeq, %gather3A_57, %max3A_73 : vector<16xf32>
      %jit3A_82 = arith.constant 13 : i32
      %broadcast_in_dim3A_83 = vector.broadcast %jit3A_82 : i32 to vector<16xi32>
      %select_n3A_84 = arith.select %eq3A_81, %broadcast_in_dim3A_83, %select_n3A_80 : vector<16xi1>, vector<16xi32>
      %eq3A_85 = arith.cmpf oeq, %gather3A_56, %max3A_73 : vector<16xf32>
      %jit3A_86 = arith.constant 12 : i32
      %broadcast_in_dim3A_87 = vector.broadcast %jit3A_86 : i32 to vector<16xi32>
      %select_n3A_88 = arith.select %eq3A_85, %broadcast_in_dim3A_87, %select_n3A_84 : vector<16xi1>, vector<16xi32>
      %eq3A_89 = arith.cmpf oeq, %gather3A_55, %max3A_73 : vector<16xf32>
      %jit3A_90 = arith.constant 11 : i32
      %broadcast_in_dim3A_91 = vector.broadcast %jit3A_90 : i32 to vector<16xi32>
      %select_n3A_92 = arith.select %eq3A_89, %broadcast_in_dim3A_91, %select_n3A_88 : vector<16xi1>, vector<16xi32>
      %eq3A_93 = arith.cmpf oeq, %gather3A_54, %max3A_73 : vector<16xf32>
      %jit3A_94 = arith.constant 10 : i32
      %broadcast_in_dim3A_95 = vector.broadcast %jit3A_94 : i32 to vector<16xi32>
      %select_n3A_96 = arith.select %eq3A_93, %broadcast_in_dim3A_95, %select_n3A_92 : vector<16xi1>, vector<16xi32>
      %eq3A_97 = arith.cmpf oeq, %gather3A_53, %max3A_73 : vector<16xf32>
      %jit3A_98 = arith.constant 9 : i32
      %broadcast_in_dim3A_99 = vector.broadcast %jit3A_98 : i32 to vector<16xi32>
      %select_n3A_100 = arith.select %eq3A_97, %broadcast_in_dim3A_99, %select_n3A_96 : vector<16xi1>, vector<16xi32>
      %eq3A_101 = arith.cmpf oeq, %gather3A_52, %max3A_73 : vector<16xf32>
      %jit3A_102 = arith.constant 8 : i32
      %broadcast_in_dim3A_103 = vector.broadcast %jit3A_102 : i32 to vector<16xi32>
      %select_n3A_104 = arith.select %eq3A_101, %broadcast_in_dim3A_103, %select_n3A_100 : vector<16xi1>, vector<16xi32>
      %eq3A_105 = arith.cmpf oeq, %gather3A_51, %max3A_73 : vector<16xf32>
      %jit3A_106 = arith.constant 7 : i32
      %broadcast_in_dim3A_107 = vector.broadcast %jit3A_106 : i32 to vector<16xi32>
      %select_n3A_108 = arith.select %eq3A_105, %broadcast_in_dim3A_107, %select_n3A_104 : vector<16xi1>, vector<16xi32>
      %eq3A_109 = arith.cmpf oeq, %gather3A_50, %max3A_73 : vector<16xf32>
      %jit3A_110 = arith.constant 6 : i32
      %broadcast_in_dim3A_111 = vector.broadcast %jit3A_110 : i32 to vector<16xi32>
      %select_n3A_112 = arith.select %eq3A_109, %broadcast_in_dim3A_111, %select_n3A_108 : vector<16xi1>, vector<16xi32>
      %eq3A_113 = arith.cmpf oeq, %gather3A_49, %max3A_73 : vector<16xf32>
      %jit3A_114 = arith.constant 5 : i32
      %broadcast_in_dim3A_115 = vector.broadcast %jit3A_114 : i32 to vector<16xi32>
      %select_n3A_116 = arith.select %eq3A_113, %broadcast_in_dim3A_115, %select_n3A_112 : vector<16xi1>, vector<16xi32>
      %eq3A_117 = arith.cmpf oeq, %gather3A_48, %max3A_73 : vector<16xf32>
      %jit3A_118 = arith.constant 4 : i32
      %broadcast_in_dim3A_119 = vector.broadcast %jit3A_118 : i32 to vector<16xi32>
      %select_n3A_120 = arith.select %eq3A_117, %broadcast_in_dim3A_119, %select_n3A_116 : vector<16xi1>, vector<16xi32>
      %eq3A_121 = arith.cmpf oeq, %gather3A_47, %max3A_73 : vector<16xf32>
      %jit3A_122 = arith.constant 3 : i32
      %broadcast_in_dim3A_123 = vector.broadcast %jit3A_122 : i32 to vector<16xi32>
      %select_n3A_124 = arith.select %eq3A_121, %broadcast_in_dim3A_123, %select_n3A_120 : vector<16xi1>, vector<16xi32>
      %eq3A_125 = arith.cmpf oeq, %gather3A_46, %max3A_73 : vector<16xf32>
      %jit3A_126 = arith.constant 2 : i32
      %broadcast_in_dim3A_127 = vector.broadcast %jit3A_126 : i32 to vector<16xi32>
      %select_n3A_128 = arith.select %eq3A_125, %broadcast_in_dim3A_127, %select_n3A_124 : vector<16xi1>, vector<16xi32>
      %eq3A_129 = arith.cmpf oeq, %gather3A_45, %max3A_73 : vector<16xf32>
      %jit3A_130 = arith.constant 1 : i32
      %broadcast_in_dim3A_131 = vector.broadcast %jit3A_130 : i32 to vector<16xi32>
      %select_n3A_132 = arith.select %eq3A_129, %broadcast_in_dim3A_131, %select_n3A_128 : vector<16xi1>, vector<16xi32>
      %eq3A_133 = arith.cmpf oeq, %gather3A, %max3A_73 : vector<16xf32>
      %jit3A_134 = arith.constant 0 : i32
      %broadcast_in_dim3A_135 = vector.broadcast %jit3A_134 : i32 to vector<16xi32>
      %select_n3A_136 = arith.select %eq3A_133, %broadcast_in_dim3A_135, %select_n3A_132 : vector<16xi1>, vector<16xi32>
      %eq3A_137 = arith.constant 0 : i32
      %eq3A_138 = vector.broadcast %eq3A_137 : i32 to vector<16xi32>
      %eq3A_139 = arith.cmpi eq, %select_n3A_136, %eq3A_138 : vector<16xi32>
      %broadcast_in_dim3A_140 = vector.broadcast %scan3A_3 : f32 to vector<16xf32>
      %select_n3A_141 = arith.select %eq3A_139, %broadcast_in_dim3A_140, %gather3A : vector<16xi1>, vector<16xf32>
      %eq3A_142 = arith.constant 1 : i32
      %eq3A_143 = vector.broadcast %eq3A_142 : i32 to vector<16xi32>
      %eq3A_144 = arith.cmpi eq, %select_n3A_136, %eq3A_143 : vector<16xi32>
      %broadcast_in_dim3A_145 = vector.broadcast %scan3A_3 : f32 to vector<16xf32>
      %select_n3A_146 = arith.select %eq3A_144, %broadcast_in_dim3A_145, %gather3A_45 : vector<16xi1>, vector<16xf32>
      %max3A_147 = arith.maximumf %select_n3A_141, %select_n3A_146 : vector<16xf32>
      %eq3A_148 = arith.constant 2 : i32
      %eq3A_149 = vector.broadcast %eq3A_148 : i32 to vector<16xi32>
      %eq3A_150 = arith.cmpi eq, %select_n3A_136, %eq3A_149 : vector<16xi32>
      %broadcast_in_dim3A_151 = vector.broadcast %scan3A_3 : f32 to vector<16xf32>
      %select_n3A_152 = arith.select %eq3A_150, %broadcast_in_dim3A_151, %gather3A_46 : vector<16xi1>, vector<16xf32>
      %max3A_153 = arith.maximumf %max3A_147, %select_n3A_152 : vector<16xf32>
      %eq3A_154 = arith.constant 3 : i32
      %eq3A_155 = vector.broadcast %eq3A_154 : i32 to vector<16xi32>
      %eq3A_156 = arith.cmpi eq, %select_n3A_136, %eq3A_155 : vector<16xi32>
      %broadcast_in_dim3A_157 = vector.broadcast %scan3A_3 : f32 to vector<16xf32>
      %select_n3A_158 = arith.select %eq3A_156, %broadcast_in_dim3A_157, %gather3A_47 : vector<16xi1>, vector<16xf32>
      %max3A_159 = arith.maximumf %max3A_153, %select_n3A_158 : vector<16xf32>
      %eq3A_160 = arith.constant 4 : i32
      %eq3A_161 = vector.broadcast %eq3A_160 : i32 to vector<16xi32>
      %eq3A_162 = arith.cmpi eq, %select_n3A_136, %eq3A_161 : vector<16xi32>
      %broadcast_in_dim3A_163 = vector.broadcast %scan3A_3 : f32 to vector<16xf32>
      %select_n3A_164 = arith.select %eq3A_162, %broadcast_in_dim3A_163, %gather3A_48 : vector<16xi1>, vector<16xf32>
      %max3A_165 = arith.maximumf %max3A_159, %select_n3A_164 : vector<16xf32>
      %eq3A_166 = arith.constant 5 : i32
      %eq3A_167 = vector.broadcast %eq3A_166 : i32 to vector<16xi32>
      %eq3A_168 = arith.cmpi eq, %select_n3A_136, %eq3A_167 : vector<16xi32>
      %broadcast_in_dim3A_169 = vector.broadcast %scan3A_3 : f32 to vector<16xf32>
      %select_n3A_170 = arith.select %eq3A_168, %broadcast_in_dim3A_169, %gather3A_49 : vector<16xi1>, vector<16xf32>
      %max3A_171 = arith.maximumf %max3A_165, %select_n3A_170 : vector<16xf32>
      %eq3A_172 = arith.constant 6 : i32
      %eq3A_173 = vector.broadcast %eq3A_172 : i32 to vector<16xi32>
      %eq3A_174 = arith.cmpi eq, %select_n3A_136, %eq3A_173 : vector<16xi32>
      %broadcast_in_dim3A_175 = vector.broadcast %scan3A_3 : f32 to vector<16xf32>
      %select_n3A_176 = arith.select %eq3A_174, %broadcast_in_dim3A_175, %gather3A_50 : vector<16xi1>, vector<16xf32>
      %max3A_177 = arith.maximumf %max3A_171, %select_n3A_176 : vector<16xf32>
      %eq3A_178 = arith.constant 7 : i32
      %eq3A_179 = vector.broadcast %eq3A_178 : i32 to vector<16xi32>
      %eq3A_180 = arith.cmpi eq, %select_n3A_136, %eq3A_179 : vector<16xi32>
      %broadcast_in_dim3A_181 = vector.broadcast %scan3A_3 : f32 to vector<16xf32>
      %select_n3A_182 = arith.select %eq3A_180, %broadcast_in_dim3A_181, %gather3A_51 : vector<16xi1>, vector<16xf32>
      %max3A_183 = arith.maximumf %max3A_177, %select_n3A_182 : vector<16xf32>
      %eq3A_184 = arith.constant 8 : i32
      %eq3A_185 = vector.broadcast %eq3A_184 : i32 to vector<16xi32>
      %eq3A_186 = arith.cmpi eq, %select_n3A_136, %eq3A_185 : vector<16xi32>
      %broadcast_in_dim3A_187 = vector.broadcast %scan3A_3 : f32 to vector<16xf32>
      %select_n3A_188 = arith.select %eq3A_186, %broadcast_in_dim3A_187, %gather3A_52 : vector<16xi1>, vector<16xf32>
      %max3A_189 = arith.maximumf %max3A_183, %select_n3A_188 : vector<16xf32>
      %eq3A_190 = arith.constant 9 : i32
      %eq3A_191 = vector.broadcast %eq3A_190 : i32 to vector<16xi32>
      %eq3A_192 = arith.cmpi eq, %select_n3A_136, %eq3A_191 : vector<16xi32>
      %broadcast_in_dim3A_193 = vector.broadcast %scan3A_3 : f32 to vector<16xf32>
      %select_n3A_194 = arith.select %eq3A_192, %broadcast_in_dim3A_193, %gather3A_53 : vector<16xi1>, vector<16xf32>
      %max3A_195 = arith.maximumf %max3A_189, %select_n3A_194 : vector<16xf32>
      %eq3A_196 = arith.constant 10 : i32
      %eq3A_197 = vector.broadcast %eq3A_196 : i32 to vector<16xi32>
      %eq3A_198 = arith.cmpi eq, %select_n3A_136, %eq3A_197 : vector<16xi32>
      %broadcast_in_dim3A_199 = vector.broadcast %scan3A_3 : f32 to vector<16xf32>
      %select_n3A_200 = arith.select %eq3A_198, %broadcast_in_dim3A_199, %gather3A_54 : vector<16xi1>, vector<16xf32>
      %max3A_201 = arith.maximumf %max3A_195, %select_n3A_200 : vector<16xf32>
      %eq3A_202 = arith.constant 11 : i32
      %eq3A_203 = vector.broadcast %eq3A_202 : i32 to vector<16xi32>
      %eq3A_204 = arith.cmpi eq, %select_n3A_136, %eq3A_203 : vector<16xi32>
      %broadcast_in_dim3A_205 = vector.broadcast %scan3A_3 : f32 to vector<16xf32>
      %select_n3A_206 = arith.select %eq3A_204, %broadcast_in_dim3A_205, %gather3A_55 : vector<16xi1>, vector<16xf32>
      %max3A_207 = arith.maximumf %max3A_201, %select_n3A_206 : vector<16xf32>
      %eq3A_208 = arith.constant 12 : i32
      %eq3A_209 = vector.broadcast %eq3A_208 : i32 to vector<16xi32>
      %eq3A_210 = arith.cmpi eq, %select_n3A_136, %eq3A_209 : vector<16xi32>
      %broadcast_in_dim3A_211 = vector.broadcast %scan3A_3 : f32 to vector<16xf32>
      %select_n3A_212 = arith.select %eq3A_210, %broadcast_in_dim3A_211, %gather3A_56 : vector<16xi1>, vector<16xf32>
      %max3A_213 = arith.maximumf %max3A_207, %select_n3A_212 : vector<16xf32>
      %eq3A_214 = arith.constant 13 : i32
      %eq3A_215 = vector.broadcast %eq3A_214 : i32 to vector<16xi32>
      %eq3A_216 = arith.cmpi eq, %select_n3A_136, %eq3A_215 : vector<16xi32>
      %broadcast_in_dim3A_217 = vector.broadcast %scan3A_3 : f32 to vector<16xf32>
      %select_n3A_218 = arith.select %eq3A_216, %broadcast_in_dim3A_217, %gather3A_57 : vector<16xi1>, vector<16xf32>
      %max3A_219 = arith.maximumf %max3A_213, %select_n3A_218 : vector<16xf32>
      %eq3A_220 = arith.constant 14 : i32
      %eq3A_221 = vector.broadcast %eq3A_220 : i32 to vector<16xi32>
      %eq3A_222 = arith.cmpi eq, %select_n3A_136, %eq3A_221 : vector<16xi32>
      %broadcast_in_dim3A_223 = vector.broadcast %scan3A_3 : f32 to vector<16xf32>
      %select_n3A_224 = arith.select %eq3A_222, %broadcast_in_dim3A_223, %gather3A_58 : vector<16xi1>, vector<16xf32>
      %max3A_225 = arith.maximumf %max3A_219, %select_n3A_224 : vector<16xf32>
      %eq3A_226 = arith.constant 15 : i32
      %eq3A_227 = vector.broadcast %eq3A_226 : i32 to vector<16xi32>
      %eq3A_228 = arith.cmpi eq, %select_n3A_136, %eq3A_227 : vector<16xi32>
      %broadcast_in_dim3A_229 = vector.broadcast %scan3A_3 : f32 to vector<16xf32>
      %select_n3A_230 = arith.select %eq3A_228, %broadcast_in_dim3A_229, %gather3A_59 : vector<16xi1>, vector<16xf32>
      %max3A_231 = arith.maximumf %max3A_225, %select_n3A_230 : vector<16xf32>
      %broadcast_in_dim3A_232 = arith.constant 16 : i32
      %broadcast_in_dim3A_233 = vector.broadcast %broadcast_in_dim3A_232 : i32 to vector<16xi32>
      %eq3A_234 = arith.constant 15 : i32
      %eq3A_235 = vector.broadcast %eq3A_234 : i32 to vector<16xi32>
      %eq3A_236 = arith.cmpi eq, %select_n3A_136, %eq3A_235 : vector<16xi32>
      %broadcast_in_dim3A_237 = vector.broadcast %scan3A_3 : f32 to vector<16xf32>
      %select_n3A_238 = arith.select %eq3A_236, %broadcast_in_dim3A_237, %gather3A_59 : vector<16xi1>, vector<16xf32>
      %eq3A_239 = arith.cmpf oeq, %select_n3A_238, %max3A_231 : vector<16xf32>
      %jit3A_240 = arith.constant 15 : i32
      %broadcast_in_dim3A_241 = vector.broadcast %jit3A_240 : i32 to vector<16xi32>
      %select_n3A_242 = arith.select %eq3A_239, %broadcast_in_dim3A_241, %broadcast_in_dim3A_233 : vector<16xi1>, vector<16xi32>
      %eq3A_243 = arith.constant 14 : i32
      %eq3A_244 = vector.broadcast %eq3A_243 : i32 to vector<16xi32>
      %eq3A_245 = arith.cmpi eq, %select_n3A_136, %eq3A_244 : vector<16xi32>
      %broadcast_in_dim3A_246 = vector.broadcast %scan3A_3 : f32 to vector<16xf32>
      %select_n3A_247 = arith.select %eq3A_245, %broadcast_in_dim3A_246, %gather3A_58 : vector<16xi1>, vector<16xf32>
      %eq3A_248 = arith.cmpf oeq, %select_n3A_247, %max3A_231 : vector<16xf32>
      %jit3A_249 = arith.constant 14 : i32
      %broadcast_in_dim3A_250 = vector.broadcast %jit3A_249 : i32 to vector<16xi32>
      %select_n3A_251 = arith.select %eq3A_248, %broadcast_in_dim3A_250, %select_n3A_242 : vector<16xi1>, vector<16xi32>
      %eq3A_252 = arith.constant 13 : i32
      %eq3A_253 = vector.broadcast %eq3A_252 : i32 to vector<16xi32>
      %eq3A_254 = arith.cmpi eq, %select_n3A_136, %eq3A_253 : vector<16xi32>
      %broadcast_in_dim3A_255 = vector.broadcast %scan3A_3 : f32 to vector<16xf32>
      %select_n3A_256 = arith.select %eq3A_254, %broadcast_in_dim3A_255, %gather3A_57 : vector<16xi1>, vector<16xf32>
      %eq3A_257 = arith.cmpf oeq, %select_n3A_256, %max3A_231 : vector<16xf32>
      %jit3A_258 = arith.constant 13 : i32
      %broadcast_in_dim3A_259 = vector.broadcast %jit3A_258 : i32 to vector<16xi32>
      %select_n3A_260 = arith.select %eq3A_257, %broadcast_in_dim3A_259, %select_n3A_251 : vector<16xi1>, vector<16xi32>
      %eq3A_261 = arith.constant 12 : i32
      %eq3A_262 = vector.broadcast %eq3A_261 : i32 to vector<16xi32>
      %eq3A_263 = arith.cmpi eq, %select_n3A_136, %eq3A_262 : vector<16xi32>
      %broadcast_in_dim3A_264 = vector.broadcast %scan3A_3 : f32 to vector<16xf32>
      %select_n3A_265 = arith.select %eq3A_263, %broadcast_in_dim3A_264, %gather3A_56 : vector<16xi1>, vector<16xf32>
      %eq3A_266 = arith.cmpf oeq, %select_n3A_265, %max3A_231 : vector<16xf32>
      %jit3A_267 = arith.constant 12 : i32
      %broadcast_in_dim3A_268 = vector.broadcast %jit3A_267 : i32 to vector<16xi32>
      %select_n3A_269 = arith.select %eq3A_266, %broadcast_in_dim3A_268, %select_n3A_260 : vector<16xi1>, vector<16xi32>
      %eq3A_270 = arith.constant 11 : i32
      %eq3A_271 = vector.broadcast %eq3A_270 : i32 to vector<16xi32>
      %eq3A_272 = arith.cmpi eq, %select_n3A_136, %eq3A_271 : vector<16xi32>
      %broadcast_in_dim3A_273 = vector.broadcast %scan3A_3 : f32 to vector<16xf32>
      %select_n3A_274 = arith.select %eq3A_272, %broadcast_in_dim3A_273, %gather3A_55 : vector<16xi1>, vector<16xf32>
      %eq3A_275 = arith.cmpf oeq, %select_n3A_274, %max3A_231 : vector<16xf32>
      %jit3A_276 = arith.constant 11 : i32
      %broadcast_in_dim3A_277 = vector.broadcast %jit3A_276 : i32 to vector<16xi32>
      %select_n3A_278 = arith.select %eq3A_275, %broadcast_in_dim3A_277, %select_n3A_269 : vector<16xi1>, vector<16xi32>
      %eq3A_279 = arith.constant 10 : i32
      %eq3A_280 = vector.broadcast %eq3A_279 : i32 to vector<16xi32>
      %eq3A_281 = arith.cmpi eq, %select_n3A_136, %eq3A_280 : vector<16xi32>
      %broadcast_in_dim3A_282 = vector.broadcast %scan3A_3 : f32 to vector<16xf32>
      %select_n3A_283 = arith.select %eq3A_281, %broadcast_in_dim3A_282, %gather3A_54 : vector<16xi1>, vector<16xf32>
      %eq3A_284 = arith.cmpf oeq, %select_n3A_283, %max3A_231 : vector<16xf32>
      %jit3A_285 = arith.constant 10 : i32
      %broadcast_in_dim3A_286 = vector.broadcast %jit3A_285 : i32 to vector<16xi32>
      %select_n3A_287 = arith.select %eq3A_284, %broadcast_in_dim3A_286, %select_n3A_278 : vector<16xi1>, vector<16xi32>
      %eq3A_288 = arith.constant 9 : i32
      %eq3A_289 = vector.broadcast %eq3A_288 : i32 to vector<16xi32>
      %eq3A_290 = arith.cmpi eq, %select_n3A_136, %eq3A_289 : vector<16xi32>
      %broadcast_in_dim3A_291 = vector.broadcast %scan3A_3 : f32 to vector<16xf32>
      %select_n3A_292 = arith.select %eq3A_290, %broadcast_in_dim3A_291, %gather3A_53 : vector<16xi1>, vector<16xf32>
      %eq3A_293 = arith.cmpf oeq, %select_n3A_292, %max3A_231 : vector<16xf32>
      %jit3A_294 = arith.constant 9 : i32
      %broadcast_in_dim3A_295 = vector.broadcast %jit3A_294 : i32 to vector<16xi32>
      %select_n3A_296 = arith.select %eq3A_293, %broadcast_in_dim3A_295, %select_n3A_287 : vector<16xi1>, vector<16xi32>
      %eq3A_297 = arith.constant 8 : i32
      %eq3A_298 = vector.broadcast %eq3A_297 : i32 to vector<16xi32>
      %eq3A_299 = arith.cmpi eq, %select_n3A_136, %eq3A_298 : vector<16xi32>
      %broadcast_in_dim3A_300 = vector.broadcast %scan3A_3 : f32 to vector<16xf32>
      %select_n3A_301 = arith.select %eq3A_299, %broadcast_in_dim3A_300, %gather3A_52 : vector<16xi1>, vector<16xf32>
      %eq3A_302 = arith.cmpf oeq, %select_n3A_301, %max3A_231 : vector<16xf32>
      %jit3A_303 = arith.constant 8 : i32
      %broadcast_in_dim3A_304 = vector.broadcast %jit3A_303 : i32 to vector<16xi32>
      %select_n3A_305 = arith.select %eq3A_302, %broadcast_in_dim3A_304, %select_n3A_296 : vector<16xi1>, vector<16xi32>
      %eq3A_306 = arith.constant 7 : i32
      %eq3A_307 = vector.broadcast %eq3A_306 : i32 to vector<16xi32>
      %eq3A_308 = arith.cmpi eq, %select_n3A_136, %eq3A_307 : vector<16xi32>
      %broadcast_in_dim3A_309 = vector.broadcast %scan3A_3 : f32 to vector<16xf32>
      %select_n3A_310 = arith.select %eq3A_308, %broadcast_in_dim3A_309, %gather3A_51 : vector<16xi1>, vector<16xf32>
      %eq3A_311 = arith.cmpf oeq, %select_n3A_310, %max3A_231 : vector<16xf32>
      %jit3A_312 = arith.constant 7 : i32
      %broadcast_in_dim3A_313 = vector.broadcast %jit3A_312 : i32 to vector<16xi32>
      %select_n3A_314 = arith.select %eq3A_311, %broadcast_in_dim3A_313, %select_n3A_305 : vector<16xi1>, vector<16xi32>
      %eq3A_315 = arith.constant 6 : i32
      %eq3A_316 = vector.broadcast %eq3A_315 : i32 to vector<16xi32>
      %eq3A_317 = arith.cmpi eq, %select_n3A_136, %eq3A_316 : vector<16xi32>
      %broadcast_in_dim3A_318 = vector.broadcast %scan3A_3 : f32 to vector<16xf32>
      %select_n3A_319 = arith.select %eq3A_317, %broadcast_in_dim3A_318, %gather3A_50 : vector<16xi1>, vector<16xf32>
      %eq3A_320 = arith.cmpf oeq, %select_n3A_319, %max3A_231 : vector<16xf32>
      %jit3A_321 = arith.constant 6 : i32
      %broadcast_in_dim3A_322 = vector.broadcast %jit3A_321 : i32 to vector<16xi32>
      %select_n3A_323 = arith.select %eq3A_320, %broadcast_in_dim3A_322, %select_n3A_314 : vector<16xi1>, vector<16xi32>
      %eq3A_324 = arith.constant 5 : i32
      %eq3A_325 = vector.broadcast %eq3A_324 : i32 to vector<16xi32>
      %eq3A_326 = arith.cmpi eq, %select_n3A_136, %eq3A_325 : vector<16xi32>
      %broadcast_in_dim3A_327 = vector.broadcast %scan3A_3 : f32 to vector<16xf32>
      %select_n3A_328 = arith.select %eq3A_326, %broadcast_in_dim3A_327, %gather3A_49 : vector<16xi1>, vector<16xf32>
      %eq3A_329 = arith.cmpf oeq, %select_n3A_328, %max3A_231 : vector<16xf32>
      %jit3A_330 = arith.constant 5 : i32
      %broadcast_in_dim3A_331 = vector.broadcast %jit3A_330 : i32 to vector<16xi32>
      %select_n3A_332 = arith.select %eq3A_329, %broadcast_in_dim3A_331, %select_n3A_323 : vector<16xi1>, vector<16xi32>
      %eq3A_333 = arith.constant 4 : i32
      %eq3A_334 = vector.broadcast %eq3A_333 : i32 to vector<16xi32>
      %eq3A_335 = arith.cmpi eq, %select_n3A_136, %eq3A_334 : vector<16xi32>
      %broadcast_in_dim3A_336 = vector.broadcast %scan3A_3 : f32 to vector<16xf32>
      %select_n3A_337 = arith.select %eq3A_335, %broadcast_in_dim3A_336, %gather3A_48 : vector<16xi1>, vector<16xf32>
      %eq3A_338 = arith.cmpf oeq, %select_n3A_337, %max3A_231 : vector<16xf32>
      %jit3A_339 = arith.constant 4 : i32
      %broadcast_in_dim3A_340 = vector.broadcast %jit3A_339 : i32 to vector<16xi32>
      %select_n3A_341 = arith.select %eq3A_338, %broadcast_in_dim3A_340, %select_n3A_332 : vector<16xi1>, vector<16xi32>
      %eq3A_342 = arith.constant 3 : i32
      %eq3A_343 = vector.broadcast %eq3A_342 : i32 to vector<16xi32>
      %eq3A_344 = arith.cmpi eq, %select_n3A_136, %eq3A_343 : vector<16xi32>
      %broadcast_in_dim3A_345 = vector.broadcast %scan3A_3 : f32 to vector<16xf32>
      %select_n3A_346 = arith.select %eq3A_344, %broadcast_in_dim3A_345, %gather3A_47 : vector<16xi1>, vector<16xf32>
      %eq3A_347 = arith.cmpf oeq, %select_n3A_346, %max3A_231 : vector<16xf32>
      %jit3A_348 = arith.constant 3 : i32
      %broadcast_in_dim3A_349 = vector.broadcast %jit3A_348 : i32 to vector<16xi32>
      %select_n3A_350 = arith.select %eq3A_347, %broadcast_in_dim3A_349, %select_n3A_341 : vector<16xi1>, vector<16xi32>
      %eq3A_351 = arith.constant 2 : i32
      %eq3A_352 = vector.broadcast %eq3A_351 : i32 to vector<16xi32>
      %eq3A_353 = arith.cmpi eq, %select_n3A_136, %eq3A_352 : vector<16xi32>
      %broadcast_in_dim3A_354 = vector.broadcast %scan3A_3 : f32 to vector<16xf32>
      %select_n3A_355 = arith.select %eq3A_353, %broadcast_in_dim3A_354, %gather3A_46 : vector<16xi1>, vector<16xf32>
      %eq3A_356 = arith.cmpf oeq, %select_n3A_355, %max3A_231 : vector<16xf32>
      %jit3A_357 = arith.constant 2 : i32
      %broadcast_in_dim3A_358 = vector.broadcast %jit3A_357 : i32 to vector<16xi32>
      %select_n3A_359 = arith.select %eq3A_356, %broadcast_in_dim3A_358, %select_n3A_350 : vector<16xi1>, vector<16xi32>
      %eq3A_360 = arith.constant 1 : i32
      %eq3A_361 = vector.broadcast %eq3A_360 : i32 to vector<16xi32>
      %eq3A_362 = arith.cmpi eq, %select_n3A_136, %eq3A_361 : vector<16xi32>
      %broadcast_in_dim3A_363 = vector.broadcast %scan3A_3 : f32 to vector<16xf32>
      %select_n3A_364 = arith.select %eq3A_362, %broadcast_in_dim3A_363, %gather3A_45 : vector<16xi1>, vector<16xf32>
      %eq3A_365 = arith.cmpf oeq, %select_n3A_364, %max3A_231 : vector<16xf32>
      %jit3A_366 = arith.constant 1 : i32
      %broadcast_in_dim3A_367 = vector.broadcast %jit3A_366 : i32 to vector<16xi32>
      %select_n3A_368 = arith.select %eq3A_365, %broadcast_in_dim3A_367, %select_n3A_359 : vector<16xi1>, vector<16xi32>
      %eq3A_369 = arith.constant 0 : i32
      %eq3A_370 = vector.broadcast %eq3A_369 : i32 to vector<16xi32>
      %eq3A_371 = arith.cmpi eq, %select_n3A_136, %eq3A_370 : vector<16xi32>
      %broadcast_in_dim3A_372 = vector.broadcast %scan3A_3 : f32 to vector<16xf32>
      %select_n3A_373 = arith.select %eq3A_371, %broadcast_in_dim3A_372, %gather3A : vector<16xi1>, vector<16xf32>
      %eq3A_374 = arith.cmpf oeq, %select_n3A_373, %max3A_231 : vector<16xf32>
      %jit3A_375 = arith.constant 0 : i32
      %broadcast_in_dim3A_376 = vector.broadcast %jit3A_375 : i32 to vector<16xi32>
      %select_n3A_377 = arith.select %eq3A_374, %broadcast_in_dim3A_376, %select_n3A_368 : vector<16xi1>, vector<16xi32>
      %sub3A = arith.subf %gather3A, %max3A_73 : vector<16xf32>
      %exp3A = math.exp %sub3A : vector<16xf32>
      %sub3A_378 = arith.subf %gather3A_45, %max3A_73 : vector<16xf32>
      %exp3A_379 = math.exp %sub3A_378 : vector<16xf32>
      %sub3A_380 = arith.subf %gather3A_46, %max3A_73 : vector<16xf32>
      %exp3A_381 = math.exp %sub3A_380 : vector<16xf32>
      %sub3A_382 = arith.subf %gather3A_47, %max3A_73 : vector<16xf32>
      %exp3A_383 = math.exp %sub3A_382 : vector<16xf32>
      %sub3A_384 = arith.subf %gather3A_48, %max3A_73 : vector<16xf32>
      %exp3A_385 = math.exp %sub3A_384 : vector<16xf32>
      %sub3A_386 = arith.subf %gather3A_49, %max3A_73 : vector<16xf32>
      %exp3A_387 = math.exp %sub3A_386 : vector<16xf32>
      %sub3A_388 = arith.subf %gather3A_50, %max3A_73 : vector<16xf32>
      %exp3A_389 = math.exp %sub3A_388 : vector<16xf32>
      %sub3A_390 = arith.subf %gather3A_51, %max3A_73 : vector<16xf32>
      %exp3A_391 = math.exp %sub3A_390 : vector<16xf32>
      %sub3A_392 = arith.subf %gather3A_52, %max3A_73 : vector<16xf32>
      %exp3A_393 = math.exp %sub3A_392 : vector<16xf32>
      %sub3A_394 = arith.subf %gather3A_53, %max3A_73 : vector<16xf32>
      %exp3A_395 = math.exp %sub3A_394 : vector<16xf32>
      %sub3A_396 = arith.subf %gather3A_54, %max3A_73 : vector<16xf32>
      %exp3A_397 = math.exp %sub3A_396 : vector<16xf32>
      %sub3A_398 = arith.subf %gather3A_55, %max3A_73 : vector<16xf32>
      %exp3A_399 = math.exp %sub3A_398 : vector<16xf32>
      %sub3A_400 = arith.subf %gather3A_56, %max3A_73 : vector<16xf32>
      %exp3A_401 = math.exp %sub3A_400 : vector<16xf32>
      %sub3A_402 = arith.subf %gather3A_57, %max3A_73 : vector<16xf32>
      %exp3A_403 = math.exp %sub3A_402 : vector<16xf32>
      %sub3A_404 = arith.subf %gather3A_58, %max3A_73 : vector<16xf32>
      %exp3A_405 = math.exp %sub3A_404 : vector<16xf32>
      %sub3A_406 = arith.subf %gather3A_59, %max3A_73 : vector<16xf32>
      %exp3A_407 = math.exp %sub3A_406 : vector<16xf32>
      %add3A_408 = arith.addf %exp3A, %exp3A_379 : vector<16xf32>
      %add3A_409 = arith.addf %add3A_408, %exp3A_381 : vector<16xf32>
      %add3A_410 = arith.addf %add3A_409, %exp3A_383 : vector<16xf32>
      %add3A_411 = arith.addf %add3A_410, %exp3A_385 : vector<16xf32>
      %add3A_412 = arith.addf %add3A_411, %exp3A_387 : vector<16xf32>
      %add3A_413 = arith.addf %add3A_412, %exp3A_389 : vector<16xf32>
      %add3A_414 = arith.addf %add3A_413, %exp3A_391 : vector<16xf32>
      %add3A_415 = arith.addf %add3A_414, %exp3A_393 : vector<16xf32>
      %add3A_416 = arith.addf %add3A_415, %exp3A_395 : vector<16xf32>
      %add3A_417 = arith.addf %add3A_416, %exp3A_397 : vector<16xf32>
      %add3A_418 = arith.addf %add3A_417, %exp3A_399 : vector<16xf32>
      %add3A_419 = arith.addf %add3A_418, %exp3A_401 : vector<16xf32>
      %add3A_420 = arith.addf %add3A_419, %exp3A_403 : vector<16xf32>
      %add3A_421 = arith.addf %add3A_420, %exp3A_405 : vector<16xf32>
      %add3A_422 = arith.addf %add3A_421, %exp3A_407 : vector<16xf32>
      %div3A = arith.constant 1.000000e+00 : f32
      %div3A_423 = vector.broadcast %div3A : f32 to vector<16xf32>
      %div3A_424 = arith.divf %div3A_423, %add3A_422 : vector<16xf32>
      %eq3A_425 = arith.constant 0 : i32
      %eq3A_426 = vector.broadcast %eq3A_425 : i32 to vector<16xi32>
      %eq3A_427 = arith.cmpi eq, %select_n3A_136, %eq3A_426 : vector<16xi32>
      %eq3A_428 = arith.constant 0 : i32
      %eq3A_429 = vector.broadcast %eq3A_428 : i32 to vector<16xi32>
      %eq3A_430 = arith.cmpi eq, %select_n3A_377, %eq3A_429 : vector<16xi32>
      %or3A = arith.ori %eq3A_427, %eq3A_430 : vector<16xi1>
      %mul3A_431 = arith.mulf %exp3A, %div3A_424 : vector<16xf32>
      %jit3A_432 = arith.constant 0.000000e+00 : f32
      %broadcast_in_dim3A_433 = vector.broadcast %jit3A_432 : f32 to vector<16xf32>
      %select_n3A_434 = arith.select %or3A, %mul3A_431, %broadcast_in_dim3A_433 : vector<16xi1>, vector<16xf32>
      tpu.vector_store_idx %arg5[%add3A_13, %broadcast_in_dim3A_14], %select_n3A_434 : memref<128x16xf32, #tpu.memory_space<vmem>>[vector<16xi32>, vector<16xi32>], vector<16xf32>,
      %eq3A_435 = arith.constant 1 : i32
      %eq3A_436 = vector.broadcast %eq3A_435 : i32 to vector<16xi32>
      %eq3A_437 = arith.cmpi eq, %select_n3A_136, %eq3A_436 : vector<16xi32>
      %eq3A_438 = arith.constant 1 : i32
      %eq3A_439 = vector.broadcast %eq3A_438 : i32 to vector<16xi32>
      %eq3A_440 = arith.cmpi eq, %select_n3A_377, %eq3A_439 : vector<16xi32>
      %or3A_441 = arith.ori %eq3A_437, %eq3A_440 : vector<16xi1>
      %mul3A_442 = arith.mulf %exp3A_379, %div3A_424 : vector<16xf32>
      %jit3A_443 = arith.constant 0.000000e+00 : f32
      %broadcast_in_dim3A_444 = vector.broadcast %jit3A_443 : f32 to vector<16xf32>
      %select_n3A_445 = arith.select %or3A_441, %mul3A_442, %broadcast_in_dim3A_444 : vector<16xi1>, vector<16xf32>
      tpu.vector_store_idx %arg5[%add3A_13, %broadcast_in_dim3A_16], %select_n3A_445 : memref<128x16xf32, #tpu.memory_space<vmem>>[vector<16xi32>, vector<16xi32>], vector<16xf32>,
      %eq3A_446 = arith.constant 2 : i32
      %eq3A_447 = vector.broadcast %eq3A_446 : i32 to vector<16xi32>
      %eq3A_448 = arith.cmpi eq, %select_n3A_136, %eq3A_447 : vector<16xi32>
      %eq3A_449 = arith.constant 2 : i32
      %eq3A_450 = vector.broadcast %eq3A_449 : i32 to vector<16xi32>
      %eq3A_451 = arith.cmpi eq, %select_n3A_377, %eq3A_450 : vector<16xi32>
      %or3A_452 = arith.ori %eq3A_448, %eq3A_451 : vector<16xi1>
      %mul3A_453 = arith.mulf %exp3A_381, %div3A_424 : vector<16xf32>
      %jit3A_454 = arith.constant 0.000000e+00 : f32
      %broadcast_in_dim3A_455 = vector.broadcast %jit3A_454 : f32 to vector<16xf32>
      %select_n3A_456 = arith.select %or3A_452, %mul3A_453, %broadcast_in_dim3A_455 : vector<16xi1>, vector<16xf32>
      tpu.vector_store_idx %arg5[%add3A_13, %broadcast_in_dim3A_18], %select_n3A_456 : memref<128x16xf32, #tpu.memory_space<vmem>>[vector<16xi32>, vector<16xi32>], vector<16xf32>,
      %eq3A_457 = arith.constant 3 : i32
      %eq3A_458 = vector.broadcast %eq3A_457 : i32 to vector<16xi32>
      %eq3A_459 = arith.cmpi eq, %select_n3A_136, %eq3A_458 : vector<16xi32>
      %eq3A_460 = arith.constant 3 : i32
      %eq3A_461 = vector.broadcast %eq3A_460 : i32 to vector<16xi32>
      %eq3A_462 = arith.cmpi eq, %select_n3A_377, %eq3A_461 : vector<16xi32>
      %or3A_463 = arith.ori %eq3A_459, %eq3A_462 : vector<16xi1>
      %mul3A_464 = arith.mulf %exp3A_383, %div3A_424 : vector<16xf32>
      %jit3A_465 = arith.constant 0.000000e+00 : f32
      %broadcast_in_dim3A_466 = vector.broadcast %jit3A_465 : f32 to vector<16xf32>
      %select_n3A_467 = arith.select %or3A_463, %mul3A_464, %broadcast_in_dim3A_466 : vector<16xi1>, vector<16xf32>
      tpu.vector_store_idx %arg5[%add3A_13, %broadcast_in_dim3A_20], %select_n3A_467 : memref<128x16xf32, #tpu.memory_space<vmem>>[vector<16xi32>, vector<16xi32>], vector<16xf32>,
      %eq3A_468 = arith.constant 4 : i32
      %eq3A_469 = vector.broadcast %eq3A_468 : i32 to vector<16xi32>
      %eq3A_470 = arith.cmpi eq, %select_n3A_136, %eq3A_469 : vector<16xi32>
      %eq3A_471 = arith.constant 4 : i32
      %eq3A_472 = vector.broadcast %eq3A_471 : i32 to vector<16xi32>
      %eq3A_473 = arith.cmpi eq, %select_n3A_377, %eq3A_472 : vector<16xi32>
      %or3A_474 = arith.ori %eq3A_470, %eq3A_473 : vector<16xi1>
      %mul3A_475 = arith.mulf %exp3A_385, %div3A_424 : vector<16xf32>
      %jit3A_476 = arith.constant 0.000000e+00 : f32
      %broadcast_in_dim3A_477 = vector.broadcast %jit3A_476 : f32 to vector<16xf32>
      %select_n3A_478 = arith.select %or3A_474, %mul3A_475, %broadcast_in_dim3A_477 : vector<16xi1>, vector<16xf32>
      tpu.vector_store_idx %arg5[%add3A_13, %broadcast_in_dim3A_22], %select_n3A_478 : memref<128x16xf32, #tpu.memory_space<vmem>>[vector<16xi32>, vector<16xi32>], vector<16xf32>,
      %eq3A_479 = arith.constant 5 : i32
      %eq3A_480 = vector.broadcast %eq3A_479 : i32 to vector<16xi32>
      %eq3A_481 = arith.cmpi eq, %select_n3A_136, %eq3A_480 : vector<16xi32>
      %eq3A_482 = arith.constant 5 : i32
      %eq3A_483 = vector.broadcast %eq3A_482 : i32 to vector<16xi32>
      %eq3A_484 = arith.cmpi eq, %select_n3A_377, %eq3A_483 : vector<16xi32>
      %or3A_485 = arith.ori %eq3A_481, %eq3A_484 : vector<16xi1>
      %mul3A_486 = arith.mulf %exp3A_387, %div3A_424 : vector<16xf32>
      %jit3A_487 = arith.constant 0.000000e+00 : f32
      %broadcast_in_dim3A_488 = vector.broadcast %jit3A_487 : f32 to vector<16xf32>
      %select_n3A_489 = arith.select %or3A_485, %mul3A_486, %broadcast_in_dim3A_488 : vector<16xi1>, vector<16xf32>
      tpu.vector_store_idx %arg5[%add3A_13, %broadcast_in_dim3A_24], %select_n3A_489 : memref<128x16xf32, #tpu.memory_space<vmem>>[vector<16xi32>, vector<16xi32>], vector<16xf32>,
      %eq3A_490 = arith.constant 6 : i32
      %eq3A_491 = vector.broadcast %eq3A_490 : i32 to vector<16xi32>
      %eq3A_492 = arith.cmpi eq, %select_n3A_136, %eq3A_491 : vector<16xi32>
      %eq3A_493 = arith.constant 6 : i32
      %eq3A_494 = vector.broadcast %eq3A_493 : i32 to vector<16xi32>
      %eq3A_495 = arith.cmpi eq, %select_n3A_377, %eq3A_494 : vector<16xi32>
      %or3A_496 = arith.ori %eq3A_492, %eq3A_495 : vector<16xi1>
      %mul3A_497 = arith.mulf %exp3A_389, %div3A_424 : vector<16xf32>
      %jit3A_498 = arith.constant 0.000000e+00 : f32
      %broadcast_in_dim3A_499 = vector.broadcast %jit3A_498 : f32 to vector<16xf32>
      %select_n3A_500 = arith.select %or3A_496, %mul3A_497, %broadcast_in_dim3A_499 : vector<16xi1>, vector<16xf32>
      tpu.vector_store_idx %arg5[%add3A_13, %broadcast_in_dim3A_26], %select_n3A_500 : memref<128x16xf32, #tpu.memory_space<vmem>>[vector<16xi32>, vector<16xi32>], vector<16xf32>,
      %eq3A_501 = arith.constant 7 : i32
      %eq3A_502 = vector.broadcast %eq3A_501 : i32 to vector<16xi32>
      %eq3A_503 = arith.cmpi eq, %select_n3A_136, %eq3A_502 : vector<16xi32>
      %eq3A_504 = arith.constant 7 : i32
      %eq3A_505 = vector.broadcast %eq3A_504 : i32 to vector<16xi32>
      %eq3A_506 = arith.cmpi eq, %select_n3A_377, %eq3A_505 : vector<16xi32>
      %or3A_507 = arith.ori %eq3A_503, %eq3A_506 : vector<16xi1>
      %mul3A_508 = arith.mulf %exp3A_391, %div3A_424 : vector<16xf32>
      %jit3A_509 = arith.constant 0.000000e+00 : f32
      %broadcast_in_dim3A_510 = vector.broadcast %jit3A_509 : f32 to vector<16xf32>
      %select_n3A_511 = arith.select %or3A_507, %mul3A_508, %broadcast_in_dim3A_510 : vector<16xi1>, vector<16xf32>
      tpu.vector_store_idx %arg5[%add3A_13, %broadcast_in_dim3A_28], %select_n3A_511 : memref<128x16xf32, #tpu.memory_space<vmem>>[vector<16xi32>, vector<16xi32>], vector<16xf32>,
      %eq3A_512 = arith.constant 8 : i32
      %eq3A_513 = vector.broadcast %eq3A_512 : i32 to vector<16xi32>
      %eq3A_514 = arith.cmpi eq, %select_n3A_136, %eq3A_513 : vector<16xi32>
      %eq3A_515 = arith.constant 8 : i32
      %eq3A_516 = vector.broadcast %eq3A_515 : i32 to vector<16xi32>
      %eq3A_517 = arith.cmpi eq, %select_n3A_377, %eq3A_516 : vector<16xi32>
      %or3A_518 = arith.ori %eq3A_514, %eq3A_517 : vector<16xi1>
      %mul3A_519 = arith.mulf %exp3A_393, %div3A_424 : vector<16xf32>
      %jit3A_520 = arith.constant 0.000000e+00 : f32
      %broadcast_in_dim3A_521 = vector.broadcast %jit3A_520 : f32 to vector<16xf32>
      %select_n3A_522 = arith.select %or3A_518, %mul3A_519, %broadcast_in_dim3A_521 : vector<16xi1>, vector<16xf32>
      tpu.vector_store_idx %arg5[%add3A_13, %broadcast_in_dim3A_30], %select_n3A_522 : memref<128x16xf32, #tpu.memory_space<vmem>>[vector<16xi32>, vector<16xi32>], vector<16xf32>,
      %eq3A_523 = arith.constant 9 : i32
      %eq3A_524 = vector.broadcast %eq3A_523 : i32 to vector<16xi32>
      %eq3A_525 = arith.cmpi eq, %select_n3A_136, %eq3A_524 : vector<16xi32>
      %eq3A_526 = arith.constant 9 : i32
      %eq3A_527 = vector.broadcast %eq3A_526 : i32 to vector<16xi32>
      %eq3A_528 = arith.cmpi eq, %select_n3A_377, %eq3A_527 : vector<16xi32>
      %or3A_529 = arith.ori %eq3A_525, %eq3A_528 : vector<16xi1>
      %mul3A_530 = arith.mulf %exp3A_395, %div3A_424 : vector<16xf32>
      %jit3A_531 = arith.constant 0.000000e+00 : f32
      %broadcast_in_dim3A_532 = vector.broadcast %jit3A_531 : f32 to vector<16xf32>
      %select_n3A_533 = arith.select %or3A_529, %mul3A_530, %broadcast_in_dim3A_532 : vector<16xi1>, vector<16xf32>
      tpu.vector_store_idx %arg5[%add3A_13, %broadcast_in_dim3A_32], %select_n3A_533 : memref<128x16xf32, #tpu.memory_space<vmem>>[vector<16xi32>, vector<16xi32>], vector<16xf32>,
      %eq3A_534 = arith.constant 10 : i32
      %eq3A_535 = vector.broadcast %eq3A_534 : i32 to vector<16xi32>
      %eq3A_536 = arith.cmpi eq, %select_n3A_136, %eq3A_535 : vector<16xi32>
      %eq3A_537 = arith.constant 10 : i32
      %eq3A_538 = vector.broadcast %eq3A_537 : i32 to vector<16xi32>
      %eq3A_539 = arith.cmpi eq, %select_n3A_377, %eq3A_538 : vector<16xi32>
      %or3A_540 = arith.ori %eq3A_536, %eq3A_539 : vector<16xi1>
      %mul3A_541 = arith.mulf %exp3A_397, %div3A_424 : vector<16xf32>
      %jit3A_542 = arith.constant 0.000000e+00 : f32
      %broadcast_in_dim3A_543 = vector.broadcast %jit3A_542 : f32 to vector<16xf32>
      %select_n3A_544 = arith.select %or3A_540, %mul3A_541, %broadcast_in_dim3A_543 : vector<16xi1>, vector<16xf32>
      tpu.vector_store_idx %arg5[%add3A_13, %broadcast_in_dim3A_34], %select_n3A_544 : memref<128x16xf32, #tpu.memory_space<vmem>>[vector<16xi32>, vector<16xi32>], vector<16xf32>,
      %eq3A_545 = arith.constant 11 : i32
      %eq3A_546 = vector.broadcast %eq3A_545 : i32 to vector<16xi32>
      %eq3A_547 = arith.cmpi eq, %select_n3A_136, %eq3A_546 : vector<16xi32>
      %eq3A_548 = arith.constant 11 : i32
      %eq3A_549 = vector.broadcast %eq3A_548 : i32 to vector<16xi32>
      %eq3A_550 = arith.cmpi eq, %select_n3A_377, %eq3A_549 : vector<16xi32>
      %or3A_551 = arith.ori %eq3A_547, %eq3A_550 : vector<16xi1>
      %mul3A_552 = arith.mulf %exp3A_399, %div3A_424 : vector<16xf32>
      %jit3A_553 = arith.constant 0.000000e+00 : f32
      %broadcast_in_dim3A_554 = vector.broadcast %jit3A_553 : f32 to vector<16xf32>
      %select_n3A_555 = arith.select %or3A_551, %mul3A_552, %broadcast_in_dim3A_554 : vector<16xi1>, vector<16xf32>
      tpu.vector_store_idx %arg5[%add3A_13, %broadcast_in_dim3A_36], %select_n3A_555 : memref<128x16xf32, #tpu.memory_space<vmem>>[vector<16xi32>, vector<16xi32>], vector<16xf32>,
      %eq3A_556 = arith.constant 12 : i32
      %eq3A_557 = vector.broadcast %eq3A_556 : i32 to vector<16xi32>
      %eq3A_558 = arith.cmpi eq, %select_n3A_136, %eq3A_557 : vector<16xi32>
      %eq3A_559 = arith.constant 12 : i32
      %eq3A_560 = vector.broadcast %eq3A_559 : i32 to vector<16xi32>
      %eq3A_561 = arith.cmpi eq, %select_n3A_377, %eq3A_560 : vector<16xi32>
      %or3A_562 = arith.ori %eq3A_558, %eq3A_561 : vector<16xi1>
      %mul3A_563 = arith.mulf %exp3A_401, %div3A_424 : vector<16xf32>
      %jit3A_564 = arith.constant 0.000000e+00 : f32
      %broadcast_in_dim3A_565 = vector.broadcast %jit3A_564 : f32 to vector<16xf32>
      %select_n3A_566 = arith.select %or3A_562, %mul3A_563, %broadcast_in_dim3A_565 : vector<16xi1>, vector<16xf32>
      tpu.vector_store_idx %arg5[%add3A_13, %broadcast_in_dim3A_38], %select_n3A_566 : memref<128x16xf32, #tpu.memory_space<vmem>>[vector<16xi32>, vector<16xi32>], vector<16xf32>,
      %eq3A_567 = arith.constant 13 : i32
      %eq3A_568 = vector.broadcast %eq3A_567 : i32 to vector<16xi32>
      %eq3A_569 = arith.cmpi eq, %select_n3A_136, %eq3A_568 : vector<16xi32>
      %eq3A_570 = arith.constant 13 : i32
      %eq3A_571 = vector.broadcast %eq3A_570 : i32 to vector<16xi32>
      %eq3A_572 = arith.cmpi eq, %select_n3A_377, %eq3A_571 : vector<16xi32>
      %or3A_573 = arith.ori %eq3A_569, %eq3A_572 : vector<16xi1>
      %mul3A_574 = arith.mulf %exp3A_403, %div3A_424 : vector<16xf32>
      %jit3A_575 = arith.constant 0.000000e+00 : f32
      %broadcast_in_dim3A_576 = vector.broadcast %jit3A_575 : f32 to vector<16xf32>
      %select_n3A_577 = arith.select %or3A_573, %mul3A_574, %broadcast_in_dim3A_576 : vector<16xi1>, vector<16xf32>
      tpu.vector_store_idx %arg5[%add3A_13, %broadcast_in_dim3A_40], %select_n3A_577 : memref<128x16xf32, #tpu.memory_space<vmem>>[vector<16xi32>, vector<16xi32>], vector<16xf32>,
      %eq3A_578 = arith.constant 14 : i32
      %eq3A_579 = vector.broadcast %eq3A_578 : i32 to vector<16xi32>
      %eq3A_580 = arith.cmpi eq, %select_n3A_136, %eq3A_579 : vector<16xi32>
      %eq3A_581 = arith.constant 14 : i32
      %eq3A_582 = vector.broadcast %eq3A_581 : i32 to vector<16xi32>
      %eq3A_583 = arith.cmpi eq, %select_n3A_377, %eq3A_582 : vector<16xi32>
      %or3A_584 = arith.ori %eq3A_580, %eq3A_583 : vector<16xi1>
      %mul3A_585 = arith.mulf %exp3A_405, %div3A_424 : vector<16xf32>
      %jit3A_586 = arith.constant 0.000000e+00 : f32
      %broadcast_in_dim3A_587 = vector.broadcast %jit3A_586 : f32 to vector<16xf32>
      %select_n3A_588 = arith.select %or3A_584, %mul3A_585, %broadcast_in_dim3A_587 : vector<16xi1>, vector<16xf32>
      tpu.vector_store_idx %arg5[%add3A_13, %broadcast_in_dim3A_42], %select_n3A_588 : memref<128x16xf32, #tpu.memory_space<vmem>>[vector<16xi32>, vector<16xi32>], vector<16xf32>,
      %eq3A_589 = arith.constant 15 : i32
      %eq3A_590 = vector.broadcast %eq3A_589 : i32 to vector<16xi32>
      %eq3A_591 = arith.cmpi eq, %select_n3A_136, %eq3A_590 : vector<16xi32>
      %eq3A_592 = arith.constant 15 : i32
      %eq3A_593 = vector.broadcast %eq3A_592 : i32 to vector<16xi32>
      %eq3A_594 = arith.cmpi eq, %select_n3A_377, %eq3A_593 : vector<16xi32>
      %or3A_595 = arith.ori %eq3A_591, %eq3A_594 : vector<16xi1>
      %mul3A_596 = arith.mulf %exp3A_407, %div3A_424 : vector<16xf32>
      %jit3A_597 = arith.constant 0.000000e+00 : f32
      %broadcast_in_dim3A_598 = vector.broadcast %jit3A_597 : f32 to vector<16xf32>
      %select_n3A_599 = arith.select %or3A_595, %mul3A_596, %broadcast_in_dim3A_598 : vector<16xi1>, vector<16xf32>
      tpu.vector_store_idx %arg5[%add3A_13, %broadcast_in_dim3A_44], %select_n3A_599 : memref<128x16xf32, #tpu.memory_space<vmem>>[vector<16xi32>, vector<16xi32>], vector<16xf32>,
    }
    %scan3A_8 = arith.constant 8 : i32
    "tpu.region"() ({
      %run_scoped3A = tpu.sem_alloc : memref<!tpu.dma_semaphore, #tpu.memory_space<semaphore_mem>>
      %dma_start3A = arith.constant 0 : i32
      %dma_start3A_9 = tpu.memref_slice %arg3[%mul3A_2, %dma_start3A] : memref<4096x16xf32, #tpu.memory_space<hbm>> -> memref<128x16xf32, #tpu.memory_space<hbm>>
      %dma_start3A_10 = arith.constant 0 : i32
      %dma_start3A_11 = tpu.memref_slice %arg3[%mul3A_2, %dma_start3A_10] : memref<4096x16xf32, #tpu.memory_space<hbm>> -> memref<128x16xf32, #tpu.memory_space<hbm>>
      tpu.enqueue_dma source(%arg5 : memref<128x16xf32, #tpu.memory_space<vmem>>) target(%dma_start3A_11 : memref<128x16xf32, #tpu.memory_space<hbm>>) target_semaphore(%run_scoped3A : memref<!tpu.dma_semaphore, #tpu.memory_space<semaphore_mem>>)
      %dma_wait3A = arith.constant 0 : i32
      %dma_wait3A_12 = tpu.memref_slice %arg3[%mul3A_2, %dma_wait3A] : memref<4096x16xf32, #tpu.memory_space<hbm>> -> memref<128x16xf32, #tpu.memory_space<hbm>>
      %dma_wait3A_13 = arith.constant 0 : i32
      %dma_wait3A_14 = tpu.memref_slice %arg3[%mul3A_2, %dma_wait3A_13] : memref<4096x16xf32, #tpu.memory_space<hbm>> -> memref<128x16xf32, #tpu.memory_space<hbm>>
      tpu.wait_dma2 semaphore(%run_scoped3A : memref<!tpu.dma_semaphore, #tpu.memory_space<semaphore_mem>>) src(%arg5 : memref<128x16xf32, #tpu.memory_space<vmem>>) dst(%dma_wait3A_14 : memref<128x16xf32, #tpu.memory_space<hbm>>)
      tpu.yield
    }) : () -> ()
    return
  }
}

module attributes {stable_mosaic.version = 14 : i64} {
  func.func @_logits_block(%arg0: i32, %arg1: memref<1024x2048xf32, #tpu.memory_space<vmem>>, %arg2: memref<2048x16xf32, #tpu.memory_space<vmem>>, %arg3: memref<1x16xf32, #tpu.memory_space<vmem>>, %arg4: memref<1024x16xf32, #tpu.memory_space<vmem>>) attributes {dimension_semantics = [#tpu.dimension_semantics<arbitrary>], iteration_bounds = array<i64: 4>, scalar_prefetch = 0 : i64, scratch_operands = 0 : i64, tpu.core_type = #tpu.core_type<tc>, window_params = [{transform_indices = @transform_0, window_bounds = array<i64: 1024, 2048>}, {pipeline_mode = #tpu.pipeline_mode<synchronous>, transform_indices = @transform_1, window_bounds = array<i64: 2048, 16>}, {pipeline_mode = #tpu.pipeline_mode<synchronous>, transform_indices = @transform_2, window_bounds = array<i64: 1, 16>}, {transform_indices = @transform_3, window_bounds = array<i64: 1024, 16>}]} {
    %get3A = arith.constant 0 : index
    %get3A_0 = arith.constant 0 : index
    %get3A_1 = vector.load %arg1[%get3A, %get3A_0] : memref<1024x2048xf32, #tpu.memory_space<vmem>>, vector<1024x2048xf32>
    %get3A_2 = arith.constant 0 : index
    %get3A_3 = arith.constant 0 : index
    %get3A_4 = vector.load %arg2[%get3A_2, %get3A_3] : memref<2048x16xf32, #tpu.memory_space<vmem>>, vector<2048x16xf32>
    %dot_general3A = arith.constant dense<0.000000e+00> : vector<1024x16xf32>
    %dot_general3A_5 = tpu.matmul %get3A_1, %get3A_4, %dot_general3A {dimension_numbers = #tpu.dot_dimension_numbers<[1], [0], [0], [1], [0, 0, 1, 1], [], []>, transpose_lhs_hint = false} : vector<1024x2048xf32>, vector<2048x16xf32>, vector<1024x16xf32> -> vector<1024x16xf32>
    %get3A_6 = arith.constant 0 : index
    %get3A_7 = arith.constant 0 : index
    %get3A_8 = vector.load %arg3[%get3A_6, %get3A_7] : memref<1x16xf32, #tpu.memory_space<vmem>>, vector<1x16xf32>
    %add3A = vector.broadcast %get3A_8 : vector<1x16xf32> to vector<1024x16xf32>
    %add3A_9 = arith.addf %dot_general3A_5, %add3A : vector<1024x16xf32>
    %swap3A = arith.constant 0 : index
    %swap3A_10 = arith.constant 0 : index
    %swap3A_11 = vector.load %arg4[%swap3A, %swap3A_10] : memref<1024x16xf32, #tpu.memory_space<vmem>>, vector<1024x16xf32>
    tpu.vector_store %arg4[%swap3A, %swap3A_10], %add3A_9 {strides = array<i32>} : memref<1024x16xf32, #tpu.memory_space<vmem>>, vector<1024x16xf32>,
    return
  }
  func.func @transform_0(%arg0: i32) -> (i32, i32) {
    %c0_i32 = arith.constant 0 : i32
    %c0_i32_0 = arith.constant 0 : i32
    return %arg0, %c0_i32 : i32, i32
  }
  func.func @transform_1(%arg0: i32) -> (i32, i32) {
    %c0_i32 = arith.constant 0 : i32
    %c0_i32_0 = arith.constant 0 : i32
    %c0_i32_1 = arith.constant 0 : i32
    return %c0_i32, %c0_i32_0 : i32, i32
  }
  func.func @transform_2(%arg0: i32) -> (i32, i32) {
    %c0_i32 = arith.constant 0 : i32
    %c0_i32_0 = arith.constant 0 : i32
    %c0_i32_1 = arith.constant 0 : i32
    return %c0_i32, %c0_i32_0 : i32, i32
  }
  func.func @transform_3(%arg0: i32) -> (i32, i32) {
    %c0_i32 = arith.constant 0 : i32
    %c0_i32_0 = arith.constant 0 : i32
    return %arg0, %c0_i32 : i32, i32
  }
}

</mosaic_0001>

<sc_bundles>
// kernel: kernel.4.cloned.1.call-start
scs
__scs_entry_jumppad:
0x0: {  	(pc) =	sbr.rel $0x88, $3  }
0x1: {  	(tag) =	ssettag $0x0;
	lr =	simm.s32 $0x1  }
0x2: {  	[smem:$0x3F9E] =	sst lr;
	_ =	strace $0xD0000000  }
0x3: {  	_ = 	snop  }
0x4: {  	_ = 	snop  }
0x5: {  	_ = 	snop  }
0x6: {  	_ = 	snop  }
0x7: {  	_ = 	snop  }
__scs_overlays_trampoline_lowered:
0x8: {  	[smem:$0x3FAD] =	sst s0  }
0x9: {  	[smem:$0x3FAE] =	sst s1  }
0xa: {  	[smem:$0x3FAF] =	sst s2  }
0xb: {  	[smem:$0x3FB0] =	sst s3  }
0xc: {  	[smem:$0x3FB1] =	sst s4  }
0xd: {  	[smem:$0x3FB2] =	sst s5  }
0xe: {  	[smem:$0x3FB3] =	sst s6  }
0xf: {  	[smem:$0x3FB4] =	sst s7  }
0x10: {  	[smem:$0x3FB5] =	sst s8  }
0x11: {  	[smem:$0x3FB6] =	sst s9;
	s0 =	simm.s32 @!p0 $0x0  }
0x12: {  	s1 =	sld [smem:$0x3F9C];
	s0 =	simm.s32 @p0 $0x1  }
0x13: {  	[smem:$0x3FB7] =	sst s0;
	s0 =	simm.s32 @!p1 $0x0  }
0x14: {  	s2 =	sld [smem:$0x3F9B];
	s0 =	simm.s32 @p1 $0x1  }
0x15: {  	[smem:$0x3FB8] =	sst s0;
	s0 =	simm.s32 @!p2 $0x0  }
0x16: {  	s3 =	sld [smem:$0x3FDB];
	s0 =	simm.s32 @p2 $0x1  }
0x17: {  	s4 =	simm.s32 $0x1BF5;
	[smem:$0x3FBA] =	sst s0  }
0x18: {  	s0 =	sld [smem:$0x3F9D];
	_ =	swait.ge [sflag:s4], $0x0  }
0x19: {  	s7 =	sld [smem:$0x3F9E]  }
0x1a: {  	s8 =	sadd.s32 $0xFFFFE003, lr  }
0x1b: {  	s9 =	sadd.s32 $0xFFFFFEF7, lr;
	s5 =	simm.s32 $0xFFFFFFFF;
	p2 =	slt.u32 s8, $0xFFFFF086  }
0x1c: {  	p1 =	slt.u32 s9, $0xF7A;
	s5 =	simm.s32 @!p2 $0x0  }
0x1d: {  	s5 =	simm.s32 @p1 $0x1;
	p0 =	seq.s32 s7, s2  }
0x1e: {  	s7 =	smul.u32 @!p0 $0xF7A, s2;
	p2 =	seq.s32 @!p0 s5, $0x0  }
0x1f: {  	s9 =	smul.u32 $0xF7A, s1;
	s8 =	simm.s32 @!p0 $0x1BF5;
	p2 =	por !p2, p0  }
0x20: {  	[sflag:s8] =	ssyncset.s32 @!p0 $0xFFFFF086;
	s6 =	sadd.s32 @!p0 s3, s7;
	s7 =	simm.s32 @!p0 $0x108  }
0x21: {  	s3 =	sadd.s32 s3, s9;
	s6 =	sadd.s32 @!p0 $0x88, s6;
	s7 =	simm.s32 @p2 $0x1082  }
0x22: {  	[simem:s7], [sflag:s8] =	dma.local @!p0 [hbm:s6], $0xF7A  }
0x23: {  	s9 =	sor.u32 $0xD0000000, s2;
	s6 =	simm.s32 $0x108;
	_ =	swait.ge @!p0 [sflag:s8], $0x0  }
0x24: {  	s3 =	sadd.s32 $0x88, s3;
	s6 =	simm.s32 @!p1 $0x1082;
	[sflag:s4] =	ssyncset.s32 $0xFFFFF086  }
0x25: {  	[simem:s6], [sflag:s4] =	dma.local [hbm:s3], $0xF7A  }
0x26: {  	[smem:$0x3F9E] =	sst s1;
	(tag) =	ssettag s2;
	_ =	strace s9  }
0x27: {  	s1 =	sld [smem:$0x3FAE]  }
0x28: {  	s2 =	sld [smem:$0x3FAF]  }
0x29: {  	s4 =	sld [smem:$0x3FB1]  }
0x2a: {  	p0 =	seq.s32 s5, $0x0;
	s5 =	sld [smem:$0x3FB2]  }
0x2b: {  	s6 =	sld [smem:$0x3FB3]  }
0x2c: {  	s7 =	sld [smem:$0x3FB4]  }
0x2d: {  	s3 =	simm.s32 $0x108;
	s8 =	sld [smem:$0x3FB5]  }
0x2e: {  	s3 =	simm.s32 @!p0 $0x1082;
	s9 =	sld [smem:$0x3FB6]  }
0x2f: {  	lr =	sadd.s32 s0, s3;
	s0 =	sld [smem:$0x3FAD]  }
0x30: {  	s3 =	sld [smem:$0x3FB0]  }
0x31: {  	[smem:$0x3FB9] =	sst s10  }
0x32: {  	s10 =	sld [smem:$0x3FB7];
	_ =	sdelay $0x3  }
0x33: {  	p0 =	seq.s32 s10, $0x1;
	s10 =	sld [smem:$0x3FB9];
	_ =	sdelay $0x3  }
0x34: {  	[smem:$0x3FB9] =	sst s10  }
0x35: {  	s10 =	sld [smem:$0x3FB8];
	_ =	sdelay $0x3  }
0x36: {  	p1 =	seq.s32 s10, $0x1;
	s10 =	sld [smem:$0x3FB9];
	_ =	sdelay $0x3  }
0x37: {  	[smem:$0x3FB9] =	sst s10  }
0x38: {  	s10 =	sld [smem:$0x3FBA]  }
0x39: {  	_ = 	snop;
	(pc) =	sbr.ind lr, $3  }
0x3a: {  	_ = 	snop  }
0x3b: {  	_ = 	snop  }
0x3c: {  	p2 =	seq.s32 s10, $0x1;
	s10 =	sld [smem:$0x3FB9]  }
0x3d: {  	_ =	shalt  }
0x3e: {  	_ =	shalt  }
0x3f: {  	_ =	shalt  }
0x40: {  	_ =	shalt  }
0x41: {  	_ =	shalt  }
0x42: {  	_ =	shalt  }
0x43: {  	_ =	shalt  }
0x44: {  	_ =	shalt  }
0x45: {  	_ =	shalt  }
0x46: {  	_ =	shalt  }
0x47: {  	_ =	shalt  }
0x48: {  	_ =	shalt  }
0x49: {  	_ =	shalt  }
0x4a: {  	_ =	shalt  }
0x4b: {  	_ =	shalt  }
0x4c: {  	_ =	shalt  }
0x4d: {  	_ =	shalt  }
0x4e: {  	_ =	shalt  }
0x4f: {  	_ =	shalt  }
0x50: {  	_ =	shalt  }
0x51: {  	_ =	shalt  }
0x52: {  	_ =	shalt  }
0x53: {  	_ =	shalt  }
0x54: {  	_ =	shalt  }
0x55: {  	_ =	shalt  }
0x56: {  	_ =	shalt  }
0x57: {  	_ =	shalt  }
0x58: {  	_ =	shalt  }
0x59: {  	_ =	shalt  }
0x5a: {  	_ =	shalt  }
0x5b: {  	_ =	shalt  }
0x5c: {  	_ =	shalt  }
0x5d: {  	_ =	shalt  }
0x5e: {  	_ =	shalt  }
0x5f: {  	_ =	shalt  }
0x60: {  	_ =	shalt  }
0x61: {  	_ =	shalt  }
0x62: {  	_ =	shalt  }
0x63: {  	_ =	shalt  }
0x64: {  	_ =	shalt  }
0x65: {  	_ =	shalt  }
0x66: {  	_ =	shalt  }
0x67: {  	_ =	shalt  }
0x68: {  	_ =	shalt  }
0x69: {  	_ =	shalt  }
0x6a: {  	_ =	shalt  }
0x6b: {  	_ =	shalt  }
0x6c: {  	_ =	shalt  }
0x6d: {  	_ =	shalt  }
0x6e: {  	_ =	shalt  }
0x6f: {  	_ =	shalt  }
0x70: {  	_ =	shalt  }
0x71: {  	_ =	shalt  }
0x72: {  	_ =	shalt  }
0x73: {  	_ =	shalt  }
0x74: {  	_ =	shalt  }
0x75: {  	_ =	shalt  }
0x76: {  	_ =	shalt  }
0x77: {  	_ =	shalt  }
0x78: {  	_ =	shalt  }
0x79: {  	_ =	shalt  }
0x7a: {  	_ =	shalt  }
0x7b: {  	_ =	shalt  }
0x7c: {  	_ =	shalt  }
0x7d: {  	_ =	shalt  }
0x7e: {  	_ =	shalt  }
0x7f: {  	_ =	shalt  }
0x80: {  	_ =	shalt  }
0x81: {  	_ =	shalt  }
0x82: {  	_ =	shalt  }
0x83: {  	_ =	shalt  }
0x84: {  	_ =	shalt  }
0x85: {  	_ =	shalt  }
0x86: {  	_ =	shalt  }
0x87: {  	_ =	shalt  }
.Lfunc_end0:
.L_simem_size_0:
called_computation_lowered:
.L_overlay_start_0:
0x88: {  	s2 =	sld [smem:$0x3FD9]  }
0x89: {  	s3 =	sld [smem:$0x3FFE];
	_ =	sdelay $0x1  }
0x8a: {  	s1 =	srdreg.scid  }
0x8b: {  	s0 =	sand.u32 $0x1, s1  }
0x8c: {  	s16 =	sshll.u32 s0, $0xA;
	s2 =	sadd.s32 s3, s2  }
0x8d: {  	s2 =	sadd.s32 s2, s16  }
0x8e: {  	[smem:$0x3FC5] =	sst s2  }
0x8f: {  	_ = 	snop  }
0x90: {  	(tm) =	ssettm $0x1  }
0x91: {  	s17 =	sld [smem:$0x3FFB];
	_ =	sdelay $0x3  }
0x92: {  	_ =	strace s17  }
0x93: {  	s2 =	sld [smem:$0x3FFC];
	_ =	sdelay $0x3  }
0x94: {  	_ =	strace s2  }
0x95: {  	s2 =	sld [smem:$0x3FFD];
	_ =	sdelay $0x3  }
0x96: {  	_ =	strace s2  }
0x97: {  	_ =	strace $0x8FFFFFFF  }
0x98: {  	s18 =	sld [smem:$0x3FDB];
	_ =	sdelay $0x1  }
0x99: {  	s19 =	simm.s32 $_scs_section_size  }
0x9a: {  	s4 =	simm.s32 $_size__tile_overlayer_lowered;
	s5 =	simm.s32 $_tile_overlayer_lowered  }
0x9b: {  	s22 =	simm.s32 $0x1BFF;
	s21 =	sshll.u32 s5, $0x1;
	s2 =	sadd.s32 s19, s18  }
0x9c: {  	s6 =	simm.s32 $0x0;
	s20 =	sshll.u32 s4, $0x1;
	s4 =	sadd.s32 s21, s2  }
0x9d: {  	[timem:s6], [sflag:s22] =	dma.local [hbm:s4], s20  }
0x9e: {  	_ =	swait.ge [sflag:s22], s20  }
0x9f: {  	s3 =	ssub.s32 $0x0, s20;
	[sflag:s22] =	ssyncset.done $0x0  }
0xa0: {  	[sflag:s22] =	ssyncadd.s32 s3;
	_ =	sdelay $0x1  }
0xa1: {  	s23 =	simm.s32 $0x1B8B  }
0xa2: {  	_ =	swait.ge [sflag:s23], $0x1  }
0xa3: {  	[sflag:s23] =	ssyncset.done $0x0  }
0xa4: {  	s25 =	simm.s32 $0x1B8E;
	s24 =	sld [smem:$0x3FFE];
	[sflag:s23] =	ssyncadd.s32 $0xFFFFFFFF  }
0xa5: {  	s26 =	simm.s32 $execute0_lowered;
	[smem:$0x3FD2] =	sst s25  }
0xa6: {  	s4 =	sshll.u32 s26, $0x1;
	_ =	strace $0x80000046;
	[dreg:$0x1] =	wrdreg $0xFFFFFFFF  }
0xa7: {  	s28 =	simm.s32 $_size_execute0_lowered;
	s2 =	sadd.s32 s2, s4;
	[dreg:$0x0] =	wrdreg $0x0  }
0xa8: {  	s4 =	sshll.u32 s28, $0x1;
	[dreg:$0x2] =	wrdreg s2  }
0xa9: {  	[dreg:$0x3] =	wrdreg s4  }
0xaa: {  	[dreg:$0x4] =	wrdreg $0xC0  }
0xab: {  	_ =	task [dreg:s6], $0x5FFFF  }
0xac: {  	[dreg:$0x1] =	wrdreg $0xFFFFFFFF  }
0xad: {  	[dreg:$0x0] =	wrdreg $0x60  }
0xae: {  	[dreg:$0x2] =	wrdreg s24  }
0xaf: {  	[dreg:$0x3] =	wrdreg $0x9  }
0xb0: {  	_ =	task.clear_ibuf [dreg:s6], $0x4FFFF;
	_ =	strace $0x90000046  }
0xb1: {  	s29 =	simm.s32 $0x9;
	_ =	strace $0x80000048  }
0xb2: {  	_ =	swait.ge [sflag:s29], $0x1  }
0xb3: {  	[sflag:s29] =	ssyncadd.s32 $0xFFFFFFFF  }
0xb4: {  	_ =	strace $0x90000048  }
0xb5: {  	_ =	sfence  }
0xb6: {  	s30 =	sld [smem:$0x0];
	_ =	sdelay $0x2  }
0xb7: {  	s31 =	sshll.u32 s1, $0xD;
	s1 =	sshrl.u32 s1, $0x2  }
0xb8: {  	s3 =	sand.u32 $0x4000, s31;
	s1 =	sadd.s32 s1, s30  }
0xb9: {  	s0 =	sor.u32 s3, s0;
	s1 =	sshll.u32 s1, $0x11  }
0xba: {  	s0 =	sor.u32 s1, s0  }
0xbb: {  	s0 =	sadd.s32 $0x8F2B, s0  }
0xbc: {  	[sflag:s0] =	ssyncadd.remote.s32 $0x1  }
0xbd: {  	_ =	sfence.sel $0xFFFF  }
0xbe: {  	[dreg:$0x0] =	wrdreg $0xFFFFFFFF;
	(pc) =	sbr.abs _section_cstart, $3  }
0xbf: {  	[dreg:$0x1] =	wrdreg $0xFFFFFFFF  }
0xc0: {  	_ =	task.clear_ibuf [dreg:s6], $0x2FFFF;
	_ =	strace $0x9FFFFFFF  }
0xc1: {  	(tm) =	ssettm $0x7FFFFFFF  }
tec
execute0_lowered:
.L_overlay_start_1:
0x0: {  	(tag) =	ssettag $0x1  }
0x1: {  	s3 =	rddreg [dreg:$0x0]  }
0x2: {  	s0 =	rddreg [dreg:$0x1];
	s4 =	srdreg.scid  }
0x3: {  	s2 =	simm.s32 $0x0;
	s1 =	stileid.u32;
	s4 =	sand.u32 $0x1, s4  }
0x4: {  	s7 =	simm.s32 $0x4000;
	s6 =	sshll.u32 s1, $0xB;
	s5 =	sshll.u32 s4, $0xF  }
0x5: {  	s8 =	simm.s32 $0x0;
	s4 =	ssub.s32 $0x2, s4;
	s5 =	sor.u32 s6, s5  }
0x6: {  	[smem:$0x7FF] =	sst s2;
	s31 =	sshrl.u32 s4, $0x1;
	s5 =	sadd.s32 s5, s3  }
0x7: {  	v0 =	vlaneseq.u32;
	_ =	strace $0x80000047;
	s6 =	ssub.s32 s4, s31;
	s3 =	sadd.s32 $0x800, s5  }
0x8: {  	v1 =	vimm.s32 $0x10;
	v0 =	vmul.u32 $0x80, v0;
	s4 =	sadd.s32 $0x10800, s5;
	s5 =	smax.u32 s6, $0x1;
	s6 =	simm.s32 $0x1  }
.LBB2_1:
0x9: {  	v2 =	vmov s2  }
0xa: {  	v2 =	vshll.u32 v2, $0x7  }
0xb: {  	v17 =	vor.u32 v0, v2  }
0xc: {  	[tilespmem:s2], [sflag:$0x1] =	stream.linear.gather [hbm4b:s3+s2], $0x4000, $0x38;
	v16 =	vor.u32 $0x1, v17;
	[tilespmem:$0x8000] =	vst v63  }
0xd: {  	_ =	swait.ge [sflag:s6], $0x4000;
	v15 =	vor.u32 $0x2, v17  }
0xe: {  	[sflag:s6] =	ssyncset.done $0x0;
	v14 =	vor.u32 $0x3, v17  }
0xf: {  	[sflag:s6] =	ssyncadd.s32 $0xFFFFC000;
	v13 =	vor.u32 $0x4, v17  }
0x10: {  	v12 =	vor.u32 $0x5, v17;
	v19 =	vld.idx.msk [tilespmem:v17+s2+$0x0], $0xffff  }
0x11: {  	v11 =	vor.u32 $0x6, v17;
	v22 =	vld.idx.msk [tilespmem:v16+s2+$0x0], $0xffff  }
0x12: {  	v10 =	vor.u32 $0x7, v17;
	v21 =	vld.idx.msk [tilespmem:v15+s2+$0x0], $0xffff  }
0x13: {  	v9 =	vor.u32 $0x8, v17;
	v24 =	vld.idx.msk [tilespmem:v14+s2+$0x0], $0xffff  }
0x14: {  	v8 =	vor.u32 $0x9, v17;
	v30 =	vld.idx.msk [tilespmem:v13+s2+$0x0], $0xffff  }
0x15: {  	v7 =	vor.u32 $0xA, v17;
	v32 =	vld.idx.msk [tilespmem:v12+s2+$0x0], $0xffff  }
0x16: {  	v6 =	vor.u32 $0xB, v17;
	v36 =	vld.idx.msk [tilespmem:v11+s2+$0x0], $0xffff;
	v2 =	vmax.f32 v19, v22  }
0x17: {  	v3 =	vor.u32 $0xC, v17;
	v37 =	vld.idx.msk [tilespmem:v10+s2+$0x0], $0xffff;
	v4 =	vmax.f32 v2, v21  }
0x18: {  	v20 =	vld.idx.msk [tilespmem:v9+s2+$0x0], $0xffff;
	v2 =	vor.u32 $0xD, v17;
	v5 =	vmax.f32 v4, v24  }
0x19: {  	v38 =	vld.idx.msk [tilespmem:v8+s2+$0x0], $0xffff;
	v4 =	vor.u32 $0xE, v17;
	v18 =	vmax.f32 v5, v30  }
0x1a: {  	v39 =	vld.idx.msk [tilespmem:v7+s2+$0x0], $0xffff;
	v5 =	vor.u32 $0xF, v17;
	v18 =	vmax.f32 v18, v32  }
0x1b: {  	v23 =	vld.idx.msk [tilespmem:v6+s2+$0x0], $0xffff;
	v18 =	vmax.f32 v18, v36  }
0x1c: {  	v28 =	vld.idx.msk [tilespmem:v3+s2+$0x0], $0xffff;
	v18 =	vmax.f32 v18, v37  }
0x1d: {  	v27 =	vld.idx.msk [tilespmem:v2+s2+$0x0], $0xffff;
	v18 =	vmax.f32 v18, v20  }
0x1e: {  	v26 =	vld.idx.msk [tilespmem:v4+s2+$0x0], $0xffff;
	v18 =	vmax.f32 v18, v38  }
0x1f: {  	v25 =	vld.idx.msk [tilespmem:v5+s2+$0x0], $0xffff;
	v18 =	vmax.f32 v18, v39  }
0x20: {  	v18 =	vmax.f32 v18, v23  }
0x21: {  	v18 =	vmax.f32 v18, v28  }
0x22: {  	v18 =	vmax.f32 v18, v27  }
0x23: {  	v18 =	vmax.f32 v18, v26  }
0x24: {  	v40 =	vmax.f32 v18, v25  }
0x25: {  	v51 =	vimm.s32 $0x0;
	v53 =	vimm.s32 $0x0;
	vm0 =	veq.f32 v39, v40  }
0x26: {  	v18 =	vsub.f32 v19, v40;
	v29 =	vsub.f32 v25, v40;
	vm1 =	veq.f32 v25, v40  }
0x27: {  	v31 =	vsub.f32 v21, v40;
	v34 =	vsub.f32 v26, v40;
	vm2 =	veq.f32 v26, v40  }
0x28: {  	v33 =	vsub.f32 v24, v40;
	vm3 =	veq.f32 v28, v40;
	v35 =	vsub.f32 v23, v40  }
0x29: {  	vm4 =	veq.f32 v27, v40;
	v41 =	vsub.f32 v36, v40;
	v42 =	vsub.f32 v30, v40  }
0x2a: {  	vm5 =	veq.f32 v20, v40;
	v43 =	vsub.f32 v32, v40;
	v62 =	vsub.f32 v37, v40  }
0x2b: {  	v63 =	vsub.f32 v28, v40;
	v48 =	vsub.f32 v20, v40;
	v18 =	vmul.f32 $1.442695020e+00, v18  }
0x2c: {  	vm6 =	veq.f32 v19, v40;
	v49 =	vsub.f32 v39, v40;
	v44 =	vsub.f32 v38, v40  }
0x2d: {  	v31 =	vmul.f32 $1.442695020e+00, v31;
	(erf) = vpow2.f32 v18;
	v18 =	vsel vm1, $0xF, v1  }
0x2e: {  	v33 =	vmul.f32 $1.442695020e+00, v33;
	v35 =	vmul.f32 $1.442695020e+00, v35;
	v18 =	vsel vm2, $0xE, v18  }
0x2f: {  	v42 =	vmul.f32 $1.442695020e+00, v42;
	v60 =	vmul.f32 $1.442695020e+00, v43;
	v18 =	vsel vm4, $0xD, v18  }
0x30: {  	v61 =	vmul.f32 $1.442695020e+00, v41;
	vm1 =	veq.f32 v23, v40;
	v18 =	vsel vm3, $0xC, v18  }
0x31: {  	v43 =	vmul.f32 $1.442695020e+00, v48;
	v50 =	vmul.f32 $1.442695020e+00, v44;
	v18 =	vsel vm1, $0xB, v18  }
0x32: {  	v41 =	vmul.f32 $1.442695020e+00, v63;
	vm2 =	veq.f32 v38, v40;
	v18 =	vsel vm0, $0xA, v18  }
0x33: {  	(erf) = vpow2.f32 v31;
	v31 =	vsub.f32 v22, v40;
	v18 =	vsel vm2, $0x9, v18  }
0x34: {  	(erf) = vpow2.f32 v35;
	vm3 =	veq.f32 v37, v40;
	v18 =	vsel vm5, $0x8, v18  }
0x35: {  	vm4 =	veq.f32 v32, v40;
	vm1 =	veq.f32 v36, v40;
	v18 =	vsel vm3, $0x7, v18  }
0x36: {  	v31 =	vmul.f32 $1.442695020e+00, v31;
	(erf) = vpow2.f32 v33;
	v18 =	vsel vm1, $0x6, v18  }
0x37: {  	(erf) = vpow2.f32 v60;
	vm0 =	veq.f32 v30, v40;
	v18 =	vsel vm4, $0x5, v18  }
0x38: {  	(erf) = vpow2.f32 v42;
	vm2 =	veq.f32 v24, v40;
	v18 =	vsel vm0, $0x4, v18  }
0x39: {  	(erf) = vpow2.f32 v31;
	vm5 =	veq.f32 v21, v40;
	v18 =	vsel vm2, $0x3, v18  }
0x3a: {  	v31 =	vmul.f32 $1.442695020e+00, v49;
	vm3 =	veq.f32 v22, v40;
	v18 =	vsel vm5, $0x2, v18  }
0x3b: {  	v44 =	vmul.f32 $1.442695020e+00, v34;
	v63 =	vimm.s32 $0x0;
	v18 =	vsel vm3, $0x1, v18  }
0x3c: {  	v35 =	vmul.f32 $1.442695020e+00, v62;
	(erf) = vpow2.f32 v61;
	v45 =	vsel vm6, $0x0, v18  }
0x3d: {  	v62 =	vimm.s32 $0x0;
	v33 =	vpop (erf);
	(erf) = vpow2.f32 v31;
	vm1 =	veq.s32 v45, $0x3  }
0x3e: {  	v31 =	vpop (erf);
	(erf) = vpow2.f32 v50;
	vm9 =	veq.s32 v45, $0x0;
	v34 =	vsel vm1, $0xFFFFFFFF, v51  }
0x3f: {  	vm8 =	veq.s32 v45, $0x1;
	vm0 =	veq.s32 v45, $0x7;
	vm6 =	veq.s32 v45, $0x4  }
0x40: {  	vm15 =	veq.s32 v45, $0x2;
	vm13 =	veq.s32 v45, $0x5;
	vm14 =	veq.s32 v45, $0x6;
	v18 =	vpop (erf)  }
0x41: {  	vm12 =	veq.s32 v45, $0x8;
	vm7 =	veq.s32 v45, $0x9;
	vm3 =	veq.s32 v45, $0xC;
	[tilespmem:$0x1FFE0] =	vst v34;
	v34 =	vpop (erf)  }
0x42: {  	vm2 =	veq.s32 v45, $0xA;
	vm4 =	veq.s32 v45, $0xB;
	v52 =	vsel vm9, $0xFF800000, v19;
	v19 =	vpop (erf)  }
0x43: {  	vm5 =	veq.s32 v45, $0xD;
	v46 =	vsel vm8, $0xFF800000, v22;
	(erf) = vpow2.f32 v43;
	v54 =	vpop (erf)  }
0x44: {  	v43 =	vsel vm0, $0xFFFFFFFF, v53;
	v57 =	vsel vm15, $0xFF800000, v21;
	v22 =	vmax.f32 v52, v46;
	v48 =	vpop (erf)  }
0x45: {  	v55 =	vsel vm1, $0xFF800000, v24;
	v22 =	vmax.f32 v22, v57;
	v24 =	vadd.f32 v48, v33  }
0x46: {  	v37 =	vsel vm0, $0xFF800000, v37;
	v47 =	vsel vm6, $0xFF800000, v30;
	v22 =	vmax.f32 v22, v55  }
0x47: {  	v49 =	vsel vm13, $0xFF800000, v32;
	v22 =	vmax.f32 v22, v47;
	v21 =	vadd.f32 v24, v31  }
0x48: {  	v56 =	vsel vm14, $0xFF800000, v36;
	(erf) = vpow2.f32 v35;
	v22 =	vmax.f32 v22, v49  }
0x49: {  	v30 =	vsel vm7, $0xFF800000, v38;
	v59 =	vmax.f32 v22, v56;
	v21 =	vadd.f32 v21, v34  }
0x4a: {  	v58 =	vsel vm2, $0xFF800000, v39;
	v60 =	vsel vm12, $0xFF800000, v20;
	v39 =	vmax.f32 v59, v37  }
0x4b: {  	v39 =	vmax.f32 v39, v60;
	v24 =	vsub.f32 v27, v40;
	v21 =	vadd.f32 v21, v54  }
0x4c: {  	v50 =	vsel vm4, $0xFF800000, v23;
	vm1 =	veq.s32 v45, $0xE;
	v39 =	vmax.f32 v39, v30  }
0x4d: {  	v28 =	vsel vm3, $0xFF800000, v28;
	v22 =	vpop (erf);
	v39 =	vmax.f32 v39, v58;
	v24 =	vmul.f32 $1.442695020e+00, v24  }
0x4e: {  	vm0 =	veq.s32 v45, $0xF;
	v20 =	vpop (erf);
	v39 =	vmax.f32 v39, v50;
	v61 =	vadd.f32 v21, v19  }
0x4f: {  	v26 =	vsel vm1, $0xFF800000, v26;
	v27 =	vsel vm5, $0xFF800000, v27;
	v39 =	vmax.f32 v39, v28;
	v21 =	vpop (erf)  }
0x50: {  	(erf) = vpow2.f32 v41;
	v39 =	vmax.f32 v39, v27;
	v41 =	vadd.f32 v61, v22;
	v23 =	vpop (erf)  }
0x51: {  	v25 =	vsel vm0, $0xFF800000, v25;
	v39 =	vmax.f32 v39, v26;
	(erf) = vpow2.f32 v24;
	v24 =	vpop (erf)  }
0x52: {  	v45 =	vsel vm1, $0xFFFFFFFF, v62;
	v39 =	vmax.f32 v39, v25;
	v41 =	vadd.f32 v41, v24  }
0x53: {  	v29 =	vmul.f32 $1.442695020e+00, v29;
	[tilespmem:$0x1FFC0] =	vst v45;
	v45 =	vsel vm0, $0xFFFFFFFF, v63;
	vm0 =	veq.f32 v25, v39  }
0x54: {  	v25 =	vsel vm0, $0xF, v1;
	vm0 =	veq.f32 v26, v39;
	v41 =	vadd.f32 v41, v23  }
0x55: {  	(erf) = vpow2.f32 v44;
	v25 =	vsel vm0, $0xE, v25;
	vm0 =	veq.f32 v27, v39  }
0x56: {  	v25 =	vsel vm0, $0xD, v25;
	vm0 =	veq.f32 v28, v39;
	v41 =	vadd.f32 v41, v21  }
0x57: {  	(erf) = vpow2.f32 v29;
	v25 =	vsel vm0, $0xC, v25;
	vm0 =	veq.f32 v50, v39  }
0x58: {  	v25 =	vsel vm0, $0xB, v25;
	vm0 =	veq.f32 v58, v39;
	v29 =	vadd.f32 v41, v20  }
0x59: {  	v25 =	vsel vm0, $0xA, v25;
	vm0 =	veq.f32 v30, v39  }
0x5a: {  	v25 =	vsel vm0, $0x9, v25;
	vm0 =	veq.f32 v60, v39;
	v26 =	vadd.f32 v29, v18  }
0x5b: {  	v27 =	vpop (erf);
	v25 =	vsel vm0, $0x8, v25;
	vm0 =	veq.f32 v37, v39  }
0x5c: {  	v25 =	vsel vm0, $0x7, v25;
	vm0 =	veq.f32 v56, v39;
	v26 =	vadd.f32 v26, v27  }
0x5d: {  	v28 =	vpop (erf);
	v25 =	vsel vm0, $0x6, v25;
	vm0 =	veq.f32 v49, v39  }
0x5e: {  	v25 =	vsel vm0, $0x5, v25;
	vm0 =	veq.f32 v47, v39;
	v26 =	vadd.f32 v26, v28  }
0x5f: {  	v30 =	vpop (erf);
	v25 =	vsel vm0, $0x4, v25;
	vm0 =	veq.f32 v55, v39  }
0x60: {  	v25 =	vsel vm0, $0x3, v25;
	vm0 =	veq.f32 v57, v39;
	v26 =	vadd.f32 v26, v30  }
0x61: {  	v32 =	vpop (erf);
	v25 =	vsel vm0, $0x2, v25;
	vm0 =	veq.f32 v46, v39  }
0x62: {  	v25 =	vsel vm0, $0x1, v25;
	vm0 =	veq.f32 v52, v39;
	v26 =	vadd.f32 v26, v32  }
0x63: {  	v29 =	vsel vm0, $0x0, v25;
	v25 =	vld [tilespmem:$0x1FFE0]  }
0x64: {  	(erf) = vrcp.f32 v26  }
0x65: {  	vm0 =	veq.s32 v29, $0x0  }
0x66: {  	vm10 =	vmor vm9, vm0;
	vm0 =	veq.s32 v29, $0x1  }
0x67: {  	[tilespmem:$0x1FFF0] =	vst v43;
	vm11 =	vmor vm8, vm0;
	vm0 =	veq.s32 v29, $0x2  }
0x68: {  	vm1 =	vmor vm15, vm0;
	vm0 =	vnez.u8 v25;
	v25 =	vld [tilespmem:$0x1FFF0]  }
0x69: {  	vm8 =	veq.s32 v29, $0x3  }
0x6a: {  	vm0 =	vmor vm0, vm8;
	vm8 =	veq.s32 v29, $0x4  }
0x6b: {  	vm15 =	vmor vm6, vm8;
	vm6 =	veq.s32 v29, $0x5  }
0x6c: {  	vm8 =	veq.s32 v29, $0x6;
	vm13 =	vmor vm13, vm6  }
0x6d: {  	vm9 =	vmor vm14, vm8;
	vm6 =	veq.s32 v29, $0x7;
	vm8 =	vnez.u8 v25;
	v36 =	vpop (erf)  }
0x6e: {  	vm8 =	vmor vm8, vm6;
	vm6 =	veq.s32 v29, $0x8;
	v25 =	vmul.f32 v36, v33  }
0x6f: {  	vm6 =	vmor vm12, vm6;
	vm12 =	veq.s32 v29, $0x9;
	v26 =	vmul.f32 v36, v48  }
0x70: {  	vm7 =	vmor vm7, vm12;
	v37 =	vmul.f32 v36, v31;
	v38 =	vnsel vm10, $0x0, v25  }
0x71: {  	s9 =	simm.s32 $0x10;
	[tilespmem:$0x1FFD0] =	vst v45;
	v31 =	vnsel vm11, $0x0, v26;
	v26 =	vmul.f32 v36, v34;
	v25 =	vmul.f32 v36, v54  }
.LBB2_2:
0x72: {  	[tilespmem:v17+s7+$0x0] =	vst.idx.msk $0xffff, v38  }
0x73: {  	[tilespmem:v16+s7+$0x0] =	vst.idx.msk $0xffff, v31;
	v16 =	vnsel vm1, $0x0, v37  }
0x74: {  	v17 =	vmul.f32 v36, v19;
	[tilespmem:v15+s7+$0x0] =	vst.idx.msk $0xffff, v16;
	v15 =	vnsel vm0, $0x0, v26  }
0x75: {  	v19 =	vmul.f32 v36, v22;
	[tilespmem:v14+s7+$0x0] =	vst.idx.msk $0xffff, v15;
	v14 =	vnsel vm15, $0x0, v25  }
0x76: {  	v22 =	vmul.f32 v36, v24;
	[tilespmem:v13+s7+$0x0] =	vst.idx.msk $0xffff, v14;
	v13 =	vnsel vm13, $0x0, v17  }
0x77: {  	vm10 =	veq.s32 v29, $0xA;
	v23 =	vmul.f32 v36, v23;
	[tilespmem:v12+s7+$0x0] =	vst.idx.msk $0xffff, v13;
	v12 =	vnsel vm9, $0x0, v19  }
0x78: {  	v20 =	vmul.f32 v36, v20;
	v16 =	vmul.f32 v36, v21;
	[tilespmem:v11+s7+$0x0] =	vst.idx.msk $0xffff, v12;
	v11 =	vnsel vm8, $0x0, v22  }
0x79: {  	vm1 =	veq.s32 v29, $0xB;
	vm0 =	vmor vm2, vm10;
	[tilespmem:v10+s7+$0x0] =	vst.idx.msk $0xffff, v11;
	v10 =	vnsel vm6, $0x0, v23  }
0x7a: {  	vm1 =	vmor vm4, vm1;
	v15 =	vmul.f32 v36, v18;
	[tilespmem:v9+s7+$0x0] =	vst.idx.msk $0xffff, v10;
	v9 =	vnsel vm7, $0x0, v16  }
0x7b: {  	v18 =	vmul.f32 v36, v27;
	vm8 =	veq.s32 v29, $0xC;
	[tilespmem:v8+s7+$0x0] =	vst.idx.msk $0xffff, v9;
	v8 =	vnsel vm0, $0x0, v20  }
0x7c: {  	vm4 =	vmor vm3, vm8;
	[tilespmem:v7+s7+$0x0] =	vst.idx.msk $0xffff, v8;
	v7 =	vnsel vm1, $0x0, v15  }
0x7d: {  	v8 =	vld [tilespmem:$0x1FFC0];
	[tilespmem:v6+s7+$0x0] =	vst.idx.msk $0xffff, v7;
	v6 =	vnsel vm4, $0x0, v18  }
0x7e: {  	s10 =	smov.u32 s9;
	[tilespmem:v3+s7+$0x0] =	vst.idx.msk $0xffff, v6;
	v6 =	vld [tilespmem:$0x1FFD0]  }
0x7f: {  	v21 =	vmul.f32 v36, v30;
	vm2 =	veq.s32 v29, $0xF;
	v10 =	vmov s10  }
0x80: {  	v14 =	vmul.f32 v36, v28;
	v13 =	vmul.f32 v36, v32;
	v9 =	vshll.u32 v10, $0x7  }
0x81: {  	vm6 =	veq.s32 v29, $0xD;
	vm7 =	veq.s32 v29, $0xE;
	v17 =	vor.u32 v0, v9  }
0x82: {  	vm0 =	vmor vm5, vm6;
	v16 =	vor.u32 $0x1, v17;
	vm1 =	vnez.u8 v8  }
0x83: {  	v3 =	vnsel vm0, $0x0, v14;
	vm1 =	vmor vm1, vm7;
	vm0 =	vnez.u8 v6  }
0x84: {  	v15 =	vor.u32 $0x2, v17;
	[tilespmem:v2+s7+$0x0] =	vst.idx.msk $0xffff, v3;
	v2 =	vnsel vm1, $0x0, v21;
	vm0 =	vmor vm0, vm2  }
0x85: {  	v14 =	vor.u32 $0x3, v17;
	[tilespmem:v4+s7+$0x0] =	vst.idx.msk $0xffff, v2;
	v2 =	vnsel vm0, $0x0, v13  }
0x86: {  	v13 =	vor.u32 $0x4, v17;
	[tilespmem:v5+s7+$0x0] =	vst.idx.msk $0xffff, v2  }
0x87: {  	v12 =	vor.u32 $0x5, v17;
	v33 =	vld.idx.msk [tilespmem:v17+s2+$0x0], $0xffff  }
0x88: {  	v11 =	vor.u32 $0x6, v17;
	v63 =	vld.idx.msk [tilespmem:v16+s2+$0x0], $0xffff  }
0x89: {  	v10 =	vor.u32 $0x7, v17;
	v20 =	vld.idx.msk [tilespmem:v15+s2+$0x0], $0xffff  }
0x8a: {  	v9 =	vor.u32 $0x8, v17;
	v52 =	vld.idx.msk [tilespmem:v14+s2+$0x0], $0xffff  }
0x8b: {  	v8 =	vor.u32 $0x9, v17;
	v35 =	vld.idx.msk [tilespmem:v13+s2+$0x0], $0xffff  }
0x8c: {  	v7 =	vor.u32 $0xA, v17;
	v22 =	vld.idx.msk [tilespmem:v12+s2+$0x0], $0xffff  }
0x8d: {  	v6 =	vor.u32 $0xB, v17;
	v21 =	vld.idx.msk [tilespmem:v11+s2+$0x0], $0xffff;
	v4 =	vmax.f32 v33, v63  }
0x8e: {  	v3 =	vor.u32 $0xC, v17;
	v38 =	vld.idx.msk [tilespmem:v10+s2+$0x0], $0xffff;
	v5 =	vmax.f32 v4, v20  }
0x8f: {  	v2 =	vor.u32 $0xD, v17;
	v24 =	vld.idx.msk [tilespmem:v9+s2+$0x0], $0xffff;
	v18 =	vmax.f32 v5, v52  }
0x90: {  	v34 =	vld.idx.msk [tilespmem:v8+s2+$0x0], $0xffff;
	v4 =	vor.u32 $0xE, v17;
	v18 =	vmax.f32 v18, v35  }
0x91: {  	v23 =	vld.idx.msk [tilespmem:v7+s2+$0x0], $0xffff;
	v5 =	vor.u32 $0xF, v17;
	v18 =	vmax.f32 v18, v22  }
0x92: {  	v32 =	vld.idx.msk [tilespmem:v6+s2+$0x0], $0xffff;
	v18 =	vmax.f32 v18, v21  }
0x93: {  	v30 =	vld.idx.msk [tilespmem:v3+s2+$0x0], $0xffff;
	v18 =	vmax.f32 v18, v38  }
0x94: {  	v29 =	vld.idx.msk [tilespmem:v2+s2+$0x0], $0xffff;
	v18 =	vmax.f32 v18, v24  }
0x95: {  	v27 =	vld.idx.msk [tilespmem:v4+s2+$0x0], $0xffff;
	v18 =	vmax.f32 v18, v34  }
0x96: {  	v28 =	vld.idx.msk [tilespmem:v5+s2+$0x0], $0xffff;
	v18 =	vmax.f32 v18, v23  }
0x97: {  	v18 =	vmax.f32 v18, v32  }
0x98: {  	v18 =	vmax.f32 v18, v30  }
0x99: {  	v18 =	vmax.f32 v18, v29  }
0x9a: {  	v18 =	vmax.f32 v18, v27  }
0x9b: {  	v61 =	vimm.s32 $0x0;
	v39 =	vmax.f32 v18, v28  }
0x9c: {  	v62 =	vimm.s32 $0x0;
	v51 =	vimm.s32 $0x0;
	vm0 =	veq.f32 v23, v39  }
0x9d: {  	v18 =	vsub.f32 v33, v39;
	v40 =	vsub.f32 v28, v39;
	vm1 =	veq.f32 v28, v39  }
0x9e: {  	v19 =	vsub.f32 v20, v39;
	v41 =	vsub.f32 v27, v39;
	vm2 =	veq.f32 v27, v39  }
0x9f: {  	v25 =	vsub.f32 v52, v39;
	vm3 =	veq.f32 v30, v39;
	v26 =	vsub.f32 v32, v39  }
0xa0: {  	vm4 =	veq.f32 v29, v39;
	v31 =	vsub.f32 v21, v39;
	v42 =	vsub.f32 v35, v39  }
0xa1: {  	vm5 =	veq.f32 v24, v39;
	v43 =	vsub.f32 v22, v39;
	v44 =	vsub.f32 v30, v39  }
0xa2: {  	vm6 =	veq.f32 v33, v39;
	v49 =	vsub.f32 v24, v39;
	v18 =	vmul.f32 $1.442695020e+00, v18  }
0xa3: {  	v46 =	vsub.f32 v34, v39;
	v47 =	vsub.f32 v23, v39;
	v19 =	vmul.f32 $1.442695020e+00, v19  }
0xa4: {  	v26 =	vmul.f32 $1.442695020e+00, v26;
	(erf) = vpow2.f32 v18;
	v18 =	vsel vm1, $0xF, v1  }
0xa5: {  	v25 =	vmul.f32 $1.442695020e+00, v25;
	(erf) = vpow2.f32 v19;
	v18 =	vsel vm2, $0xE, v18  }
0xa6: {  	v42 =	vmul.f32 $1.442695020e+00, v42;
	v18 =	vsel vm4, $0xD, v18;
	(erf) = vpow2.f32 v26  }
0xa7: {  	v53 =	vmul.f32 $1.442695020e+00, v31;
	vm1 =	veq.f32 v32, v39;
	v18 =	vsel vm3, $0xC, v18  }
0xa8: {  	v31 =	vsub.f32 v38, v39;
	v55 =	vmul.f32 $1.442695020e+00, v49;
	v18 =	vsel vm1, $0xB, v18  }
0xa9: {  	vm2 =	veq.f32 v34, v39;
	v26 =	vmul.f32 $1.442695020e+00, v43;
	v18 =	vsel vm0, $0xA, v18  }
0xaa: {  	v19 =	vsub.f32 v63, v39;
	(erf) = vpow2.f32 v25;
	v18 =	vsel vm2, $0x9, v18  }
0xab: {  	vm3 =	veq.f32 v38, v39;
	(erf) = vpow2.f32 v26;
	v18 =	vsel vm5, $0x8, v18  }
0xac: {  	v45 =	vmul.f32 $1.442695020e+00, v31;
	vm1 =	veq.f32 v21, v39;
	v31 =	vsel vm3, $0x7, v18  }
0xad: {  	vm4 =	veq.f32 v22, v39;
	v19 =	vmul.f32 $1.442695020e+00, v19;
	v25 =	vpop (erf);
	v48 =	vsel vm1, $0x6, v31  }
0xae: {  	vm0 =	veq.f32 v35, v39;
	v26 =	vpop (erf);
	(erf) = vpow2.f32 v42;
	v54 =	vsel vm4, $0x5, v48  }
0xaf: {  	vm2 =	veq.f32 v52, v39;
	v18 =	vpop (erf);
	v42 =	vsel vm0, $0x4, v54;
	(erf) = vpow2.f32 v19  }
0xb0: {  	v57 =	vmul.f32 $1.442695020e+00, v46;
	vm5 =	veq.f32 v20, v39;
	v56 =	vsel vm2, $0x3, v42  }
0xb1: {  	v58 =	vmul.f32 $1.442695020e+00, v47;
	vm3 =	veq.f32 v63, v39;
	v59 =	vsel vm5, $0x2, v56  }
0xb2: {  	v44 =	vmul.f32 $1.442695020e+00, v44;
	v39 =	vsub.f32 v29, v39;
	v60 =	vsel vm3, $0x1, v59  }
0xb3: {  	v41 =	vmul.f32 $1.442695020e+00, v41;
	v46 =	vmul.f32 $1.442695020e+00, v40;
	v31 =	vpop (erf);
	v43 =	vsel vm6, $0x0, v60  }
0xb4: {  	v39 =	vmul.f32 $1.442695020e+00, v39;
	v19 =	vpop (erf);
	(erf) = vpow2.f32 v53;
	vm0 =	veq.s32 v43, $0x0  }
0xb5: {  	(erf) = vpow2.f32 v58;
	vm1 =	veq.s32 v43, $0x3;
	v40 =	vsel vm0, $0xFFFFFFFF, v61  }
0xb6: {  	v56 =	vimm.s32 $0x0;
	(erf) = vpow2.f32 v57;
	[tilespmem:$0x1FF70] =	vst v40;
	v40 =	vsel vm1, $0xFFFFFFFF, v62  }
0xb7: {  	(erf) = vpow2.f32 v55;
	vm8 =	veq.s32 v43, $0x4;
	[tilespmem:$0x1FF80] =	vst v40;
	v40 =	vsel vm0, $0xFF800000, v33;
	v33 =	vpop (erf)  }
0xb8: {  	v53 =	vimm.s32 $0x0;
	(erf) = vpow2.f32 v45;
	v45 =	vsel vm8, $0xFF800000, v35;
	v35 =	vpop (erf)  }
0xb9: {  	vm9 =	veq.s32 v43, $0x1;
	vm15 =	veq.s32 v43, $0x2;
	v59 =	vadd.f32 v35, v25  }
0xba: {  	vm13 =	veq.s32 v43, $0x5;
	vm12 =	veq.s32 v43, $0x6;
	vm14 =	veq.s32 v43, $0x8  }
0xbb: {  	vm2 =	veq.s32 v43, $0xC;
	vm11 =	veq.s32 v43, $0xA;
	v48 =	vadd.f32 v59, v26  }
0xbc: {  	v37 =	vsel vm9, $0xFF800000, v63;
	v36 =	vsel vm1, $0xFF800000, v52;
	v58 =	vsel vm13, $0xFF800000, v22  }
0xbd: {  	v50 =	vsel vm15, $0xFF800000, v20;
	v63 =	vmax.f32 v40, v37;
	v48 =	vadd.f32 v48, v31  }
0xbe: {  	v60 =	vsel vm12, $0xFF800000, v21;
	v52 =	vsel vm2, $0xFFFFFFFF, v53;
	v42 =	vmax.f32 v63, v50  }
0xbf: {  	v61 =	vsel vm11, $0xFF800000, v23;
	v22 =	vpop (erf);
	v42 =	vmax.f32 v42, v36;
	v48 =	vadd.f32 v48, v33  }
0xc0: {  	v62 =	vsel vm14, $0xFF800000, v24;
	vm0 =	veq.s32 v43, $0x7;
	v20 =	vpop (erf);
	v42 =	vmax.f32 v42, v45  }
0xc1: {  	v57 =	vsel vm0, $0xFFFFFFFF, v56;
	v21 =	vpop (erf);
	v42 =	vmax.f32 v42, v58;
	v48 =	vadd.f32 v48, v19  }
0xc2: {  	v38 =	vsel vm0, $0xFF800000, v38;
	v23 =	vpop (erf);
	(erf) = vpow2.f32 v44;
	v42 =	vmax.f32 v42, v60  }
0xc3: {  	[tilespmem:$0x1FFB0] =	vst v52;
	vm0 =	veq.s32 v43, $0x9;
	v42 =	vmax.f32 v42, v38;
	v52 =	vadd.f32 v48, v22  }
0xc4: {  	vm10 =	veq.s32 v43, $0xB;
	v34 =	vsel vm0, $0xFF800000, v34;
	v42 =	vmax.f32 v42, v62;
	v24 =	vpop (erf)  }
0xc5: {  	vm7 =	veq.s32 v43, $0xD;
	v63 =	vmax.f32 v42, v34;
	v42 =	vadd.f32 v52, v24  }
0xc6: {  	v32 =	vsel vm10, $0xFF800000, v32;
	v30 =	vsel vm2, $0xFF800000, v30;
	v29 =	vsel vm7, $0xFF800000, v29  }
0xc7: {  	vm1 =	veq.s32 v43, $0xE;
	(erf) = vpow2.f32 v39;
	v42 =	vadd.f32 v42, v23  }
0xc8: {  	v53 =	vimm.s32 $0x0;
	v54 =	vsel vm1, $0xFF800000, v27;
	v39 =	vmax.f32 v63, v61  }
0xc9: {  	(erf) = vpow2.f32 v41;
	v39 =	vmax.f32 v39, v32;
	v42 =	vadd.f32 v42, v21  }
0xca: {  	v51 =	vsel vm0, $0xFFFFFFFF, v51;
	vm0 =	veq.s32 v43, $0xF;
	v39 =	vmax.f32 v39, v30  }
0xcb: {  	[tilespmem:$0x1FF90] =	vst v57;
	v39 =	vmax.f32 v39, v29;
	v27 =	vpop (erf);
	(erf) = vpow2.f32 v46;
	v57 =	vadd.f32 v42, v20  }
0xcc: {  	v28 =	vsel vm0, $0xFF800000, v28;
	v41 =	vsel vm1, $0xFFFFFFFF, v53;
	v39 =	vmax.f32 v39, v54  }
0xcd: {  	v55 =	vimm.s32 $0x0;
	[tilespmem:$0x1FFC0] =	vst v41;
	v39 =	vmax.f32 v39, v28;
	v41 =	vadd.f32 v57, v18  }
0xce: {  	v43 =	vsel vm0, $0xFFFFFFFF, v55;
	vm0 =	veq.f32 v28, v39;
	vm6 =	veq.f32 v58, v39  }
0xcf: {  	v56 =	vsel vm0, $0xF, v1;
	vm0 =	veq.f32 v54, v39;
	v58 =	vadd.f32 v41, v27  }
0xd0: {  	vm1 =	veq.f32 v32, v39;
	v28 =	vpop (erf);
	v32 =	vsel vm0, $0xE, v56;
	vm0 =	veq.f32 v29, v39  }
0xd1: {  	v29 =	vsel vm0, $0xD, v32;
	vm0 =	veq.f32 v30, v39;
	v59 =	vadd.f32 v58, v28  }
0xd2: {  	vm2 =	veq.f32 v61, v39;
	v30 =	vpop (erf);
	v29 =	vsel vm0, $0xC, v29  }
0xd3: {  	vm0 =	veq.f32 v34, v39;
	v29 =	vsel vm1, $0xB, v29;
	v34 =	vadd.f32 v59, v30  }
0xd4: {  	v29 =	vsel vm2, $0xA, v29;
	v32 =	vpop (erf)  }
0xd5: {  	vm3 =	veq.f32 v62, v39;
	v29 =	vsel vm0, $0x9, v29;
	v34 =	vadd.f32 v34, v32  }
0xd6: {  	vm1 =	veq.f32 v38, v39;
	v29 =	vsel vm3, $0x8, v29  }
0xd7: {  	vm2 =	veq.f32 v60, v39;
	v29 =	vsel vm1, $0x7, v29;
	(erf) = vrcp.f32 v34  }
0xd8: {  	v61 =	vld [tilespmem:$0x1FF80];
	v29 =	vsel vm2, $0x6, v29  }
0xd9: {  	vm5 =	veq.f32 v45, v39;
	v60 =	vld [tilespmem:$0x1FF70];
	v29 =	vsel vm6, $0x5, v29  }
0xda: {  	vm0 =	veq.f32 v36, v39;
	v29 =	vsel vm5, $0x4, v29  }
0xdb: {  	vm3 =	veq.f32 v50, v39;
	v29 =	vsel vm0, $0x3, v29  }
0xdc: {  	vm4 =	veq.f32 v37, v39;
	v29 =	vsel vm3, $0x2, v29  }
0xdd: {  	vm1 =	veq.f32 v40, v39;
	v29 =	vsel vm4, $0x1, v29  }
0xde: {  	vm6 =	vnez.u8 v61;
	vm3 =	vnez.u8 v60;
	v29 =	vsel vm1, $0x0, v29  }
0xdf: {  	vm0 =	veq.s32 v29, $0x0;
	vm1 =	veq.s32 v29, $0x1;
	vm2 =	veq.s32 v29, $0x2  }
0xe0: {  	v62 =	vld [tilespmem:$0x1FF90];
	vm5 =	veq.s32 v29, $0x5;
	vm3 =	vmor vm3, vm0;
	vm4 =	vmor vm9, vm1;
	v36 =	vpop (erf)  }
0xe1: {  	[tilespmem:$0x1FFA0] =	vst v51;
	vm1 =	vmor vm15, vm2;
	vm0 =	veq.s32 v29, $0x3;
	v25 =	vmul.f32 v36, v25  }
0xe2: {  	vm2 =	veq.s32 v29, $0x4;
	v37 =	vmul.f32 v36, v26;
	v26 =	vmul.f32 v36, v31;
	v31 =	vld [tilespmem:$0x1FFA0]  }
0xe3: {  	vm13 =	vmor vm13, vm5;
	vm5 =	veq.s32 v29, $0x7;
	vm0 =	vmor vm6, vm0  }
0xe4: {  	p0 =	sne.s32 s9, $0x70;
	vm15 =	vmor vm8, vm2;
	vm2 =	veq.s32 v29, $0x6;
	v38 =	vnsel vm3, $0x0, v25;
	v25 =	vld [tilespmem:$0x1FFB0]  }
.Ltmp0:
0xe5: {  	vm6 =	veq.s32 v29, $0x8;
	vm9 =	vmor vm12, vm2;
	vm2 =	vnez.u8 v62;
	(pc) =	sbr.rel @p0 .LBB2_2-.Ltmp0, $4  }
0xe6: {  	vm6 =	vmor vm14, vm6;
	vm8 =	vmor vm2, vm5;
	v63 =	vmul.f32 v36, v35  }
0xe7: {  	vm5 =	vmmov vm7;
	vm2 =	veq.s32 v29, $0x9;
	vm7 =	vnez.u8 v31  }
0xe8: {  	v31 =	vnsel vm4, $0x0, v63;
	vm4 =	vmmov vm10;
	vm7 =	vmor vm7, vm2  }
0xe9: {  	s9 =	sadd.s32 $0x10, s9;
	[tilespmem:$0x1FFD0] =	vst v43;
	vm2 =	vmmov vm11;
	vm3 =	vnez.u8 v25;
	v25 =	vmul.f32 v36, v33  }
0xea: {  	_ =	sdelay $0x3  }
0xeb: {  	[tilespmem:v17+s7+$0x0] =	vst.idx.msk $0xffff, v38  }
0xec: {  	v41 =	vnsel vm1, $0x0, v37;
	v42 =	vmul.f32 v36, v19;
	v43 =	vmul.f32 v36, v22;
	[tilespmem:v16+s7+$0x0] =	vst.idx.msk $0xffff, v31  }
0xed: {  	v44 =	vnsel vm0, $0x0, v26;
	vm14 =	veq.s32 v29, $0xA;
	v45 =	vmul.f32 v36, v24;
	[tilespmem:v15+s7+$0x0] =	vst.idx.msk $0xffff, v41  }
0xee: {  	v47 =	vmul.f32 v36, v23;
	v21 =	vmul.f32 v36, v21;
	v46 =	vnsel vm15, $0x0, v25;
	[tilespmem:v14+s7+$0x0] =	vst.idx.msk $0xffff, v44  }
0xef: {  	v49 =	vmul.f32 v36, v20;
	v50 =	vmul.f32 v36, v18;
	v48 =	vnsel vm13, $0x0, v42;
	[tilespmem:v13+s7+$0x0] =	vst.idx.msk $0xffff, v46  }
0xf0: {  	v52 =	vmul.f32 v36, v27;
	v53 =	vmul.f32 v36, v28;
	v51 =	vnsel vm9, $0x0, v43;
	[tilespmem:v12+s7+$0x0] =	vst.idx.msk $0xffff, v48  }
0xf1: {  	v55 =	vmul.f32 v36, v30;
	v57 =	vmul.f32 v36, v32;
	v62 =	vld [tilespmem:$0x1FFC0];
	v54 =	vnsel vm8, $0x0, v45;
	[tilespmem:v11+s7+$0x0] =	vst.idx.msk $0xffff, v51  }
0xf2: {  	vm11 =	veq.s32 v29, $0xD;
	vm12 =	veq.s32 v29, $0xE;
	v63 =	vld [tilespmem:$0x1FFD0];
	v56 =	vnsel vm6, $0x0, v47;
	[tilespmem:v10+s7+$0x0] =	vst.idx.msk $0xffff, v54  }
0xf3: {  	vm0 =	vmor vm2, vm14;
	vm8 =	veq.s32 v29, $0xB;
	v58 =	vnsel vm7, $0x0, v21;
	[tilespmem:v9+s7+$0x0] =	vst.idx.msk $0xffff, v56  }
0xf4: {  	vm9 =	veq.s32 v29, $0xC;
	v59 =	vnsel vm0, $0x0, v49;
	vm1 =	vmor vm4, vm8;
	[tilespmem:v8+s7+$0x0] =	vst.idx.msk $0xffff, v58  }
0xf5: {  	vm2 =	vmor vm5, vm11;
	vm10 =	vmor vm3, vm9;
	v60 =	vnsel vm1, $0x0, v50;
	[tilespmem:v7+s7+$0x0] =	vst.idx.msk $0xffff, v59  }
0xf6: {  	vm14 =	veq.s32 v29, $0xF;
	v61 =	vnsel vm10, $0x0, v52;
	vm13 =	vnez.u8 v62;
	[tilespmem:v6+s7+$0x0] =	vst.idx.msk $0xffff, v60  }
0xf7: {  	vm15 =	vnez.u8 v63;
	vm0 =	vmor vm13, vm12;
	[tilespmem:v3+s7+$0x0] =	vst.idx.msk $0xffff, v61;
	v3 =	vnsel vm2, $0x0, v53  }
0xf8: {  	s8 =	sadd.s32 $0x1, s8;
	vm1 =	vmor vm15, vm14;
	[tilespmem:v2+s7+$0x0] =	vst.idx.msk $0xffff, v3;
	v2 =	vnsel vm0, $0x0, v55  }
0xf9: {  	p0 =	sne.s32 s8, s5;
	[tilespmem:v4+s7+$0x0] =	vst.idx.msk $0xffff, v2;
	v2 =	vnsel vm1, $0x0, v57  }
.Ltmp1:
0xfa: {  	[tilespmem:v5+s7+$0x0] =	vst.idx.msk $0xffff, v2;
	(pc) =	sbr.rel @p0 .LBB2_1-.Ltmp1, $4  }
0xfb: {  	[hbm4b:s4+s2] =	stream.linear.scatter [tilespmem:s7], [sflag:$0x1], $0x4000, $0x38;
	[tilespmem:$0x8000] =	vst v63  }
0xfc: {  	_ =	swait.ge [sflag:s6], $0x4000  }
0xfd: {  	[sflag:s6] =	ssyncset.done $0x0  }
0xfe: {  	[sflag:s6] =	ssyncadd.s32 $0xFFFFC000  }
0xff: {  	_ =	sfence.sel $0x180000  }
0x100: {  	[bflag:$0x0] =	sbarrier.arrive $0xFFFF  }
0x101: {  	p0 =	sne.s32 s1, $0x0;
	_ =	strace $0x90000047  }
0x102: {  	s0 =	sadd.s32 @!p0 $0x100000, s0;
	[bflag:$0x2] =	sbarrier.arrive $0xFFFF  }
0x103: {  	[sflag:s0] =	ssyncadd.tile.s32 @!p0 $0x1;
	_ =	shalt  }
.Lfunc_end2:
_tile_overlayer_lowered:
.L_overlay_start_2:
0x104: {  	(tag) =	ssettag $0x2  }
0x105: {  	s0 =	rddreg [dreg:$0x0];
	s2 =	stileid.u32  }
0x106: {  	s1 =	rddreg [dreg:$0x1];
	p0 =	sne.s32 s2, $0x0  }
0x107: {  	s3 =	rddreg [dreg:$0x2];
	[bflag:$0x3] =	sbarrier.arrive $0xFFFF;
	s2 =	simm.s32 @!p0 $0x1C01  }
0x108: {  	[timem:s3], [sflag:s2] =	dma.local @!p0 [hbm:s0], s1  }
0x109: {  	s0 =	simm.s32 @!p0 $0x1  }
0x10a: {  	_ =	swait.ge @!p0 [sflag:s0], s1  }
0x10b: {  	s1 =	ssub.s32 @!p0 $0x0, s1;
	[sflag:s0] =	ssyncset.done @!p0 $0x0  }
0x10c: {  	[sflag:s0] =	ssyncadd.s32 @!p0 s1  }
0x10d: {  	[bflag:$0x3] =	sbarrier.arrive $0xFFFF  }
0x10e: {  	_ =	shalt  }

</sc_bundles>
